<compile_context>
chip_gen: v7x
topology: tpu7x:2x2x1
jax: 0.10.2.dev20260603
libtpu: 0.0.44.dev20260713+nightly
codegen_flags: <defaults>
</compile_context>

<pallas_src>
import functools

import jax
import jax.numpy as jnp
from jax import lax
from jax.experimental import pallas as pl
from jax.experimental.pallas import tpu as pltpu
from jax.experimental.pallas import tpu_sc as plsc

NC = 2
NS = 16
NT = NC * NS
CHUNK = 64
ZROWS = 8
SHIFT = 14
MASK = (1 << SHIFT) - 1
NSEC = 2
NB = 2


def _sc_mesh():
    return plsc.VectorSubcoreMesh(core_axis_name="c", subcore_axis_name="s",
                                  num_cores=NC, num_subcores=NS)


def _deg_kernel(n_pad, n_chunks, d, ck):
    rows_per_tile = n_pad // NS
    nz = rows_per_tile // ZROWS

    @functools.partial(
        pl.kernel,
        out_type=jax.ShapeDtypeStruct((NC, n_pad, d), jnp.float32),
        mesh=_sc_mesh(),
        scratch_types=[
            pltpu.VMEM((n_chunks, ck), jnp.int32),
            pltpu.VMEM((ck, d), jnp.float32),
            pltpu.VMEM((ZROWS, d), jnp.float32),
            pltpu.VMEM_SHARED((n_pad, d), jnp.float32),
        ],
    )
    def deg_kernel(pk_hbm, out_hbm, idx_v, ones_v, z_v, acc_sh):
        c = lax.axis_index("c")
        s = lax.axis_index("s")
        wid = c * NS + s
        pltpu.sync_copy(pk_hbm.at[wid], idx_v)

        def unpack(j, carry):
            for q in range(ck // 16):
                v = idx_v[j, pl.ds(q * 16, 16)]
                idx_v[j, pl.ds(q * 16, 16)] = lax.shift_right_logical(v, SHIFT)
            return carry
        lax.fori_loop(0, n_chunks, unpack, 0)

        one = jnp.ones((16,), jnp.float32)
        zero = jnp.zeros((16,), jnp.float32)

        def fill_ones(r, carry):
            for q in range(d // 16):
                ones_v[r, pl.ds(q * 16, 16)] = one
            return carry
        lax.fori_loop(0, ck, fill_ones, 0)

        def fill_zero(r, carry):
            for q in range(d // 16):
                z_v[r, pl.ds(q * 16, 16)] = zero
            return carry
        lax.fori_loop(0, ZROWS, fill_zero, 0)

        base = s * rows_per_tile

        def zero_acc(i, carry):
            pltpu.sync_copy(z_v, acc_sh.at[pl.ds(base + i * ZROWS, ZROWS)])
            return carry
        lax.fori_loop(0, nz, zero_acc, 0)

        plsc.subcore_barrier()

        def body(j, carry):
            pltpu.sync_copy(ones_v, acc_sh.at[idx_v.at[j]], add=True)
            return carry
        lax.fori_loop(0, n_chunks, body, 0)

        plsc.subcore_barrier()
        pltpu.sync_copy(acc_sh.at[pl.ds(base, rows_per_tile)],
                        out_hbm.at[c, pl.ds(base, rows_per_tile)])

    return deg_kernel


def _agg_kernel(n_pad, n_chunks, d):
    rows_per_tile = n_pad // NS
    nz = rows_per_tile // ZROWS
    sec_ch = n_chunks // NSEC

    @functools.partial(
        pl.kernel,
        out_type=jax.ShapeDtypeStruct((NC, n_pad, d), jnp.float32),
        mesh=_sc_mesh(),
        scratch_types=[
            pltpu.VMEM((sec_ch, CHUNK), jnp.int32),
            pltpu.VMEM((sec_ch, CHUNK), jnp.int32),
            [pltpu.VMEM((CHUNK, d), jnp.float32) for _ in range(NB)],
            pltpu.VMEM_SHARED((n_pad, d), jnp.float32),
            [pltpu.SemaphoreType.DMA for _ in range(NB)],
        ],
    )
    def agg_kernel(x2_hbm, pk_hbm, out_hbm,
                   src_v, dst_v, bufs, acc_sh, sems):
        c = lax.axis_index("c")
        s = lax.axis_index("s")
        wid = c * NS + s

        zero = jnp.zeros((16,), jnp.float32)

        def fill_zero(r, carry):
            for q in range(d // 16):
                bufs[0][r, pl.ds(q * 16, 16)] = zero
            return carry
        lax.fori_loop(0, ZROWS, fill_zero, 0)

        base = s * rows_per_tile

        def zero_acc(i, carry):
            pltpu.sync_copy(bufs[0].at[pl.ds(0, ZROWS)],
                            acc_sh.at[pl.ds(base + i * ZROWS, ZROWS)])
            return carry
        lax.fori_loop(0, nz, zero_acc, 0)

        plsc.subcore_barrier()

        def section(sec, carry):
            pltpu.sync_copy(pk_hbm.at[wid, pl.ds(sec * sec_ch, sec_ch)], src_v)

            def unpack(j, carry2):
                for q in range(CHUNK // 16):
                    v = src_v[j, pl.ds(q * 16, 16)]
                    dst_v[j, pl.ds(q * 16, 16)] = lax.shift_right_logical(
                        v, SHIFT)
                    src_v[j, pl.ds(q * 16, 16)] = lax.bitwise_and(v, MASK)
                return carry2
            lax.fori_loop(0, sec_ch, unpack, 0)

            for b in range(NB - 1):
                pltpu.async_copy(x2_hbm.at[src_v.at[b]], bufs[b], sems[b])

            def body(jj, carry2):
                for b in range(NB):
                    j = jj * NB + b
                    bn = (b + NB - 1) % NB
                    pltpu.async_copy(x2_hbm.at[src_v.at[j + NB - 1]],
                                     bufs[bn], sems[bn])
                    pltpu.make_async_copy(x2_hbm.at[src_v.at[j]], bufs[b],
                                          sems[b]).wait()
                    pltpu.sync_copy(bufs[b], acc_sh.at[dst_v.at[j]], add=True)
                return carry2
            lax.fori_loop(0, sec_ch // NB - 1, body, 0)

            for b in range(NB):
                j = sec_ch - NB + b
                if b == 0:
                    pltpu.async_copy(x2_hbm.at[src_v.at[sec_ch - 1]],
                                     bufs[NB - 1], sems[NB - 1])
                pltpu.make_async_copy(x2_hbm.at[src_v.at[j]], bufs[b],
                                      sems[b]).wait()
                pltpu.sync_copy(bufs[b], acc_sh.at[dst_v.at[j]], add=True)
            return carry
        lax.fori_loop(0, NSEC, section, 0)

        plsc.subcore_barrier()
        pltpu.sync_copy(acc_sh.at[pl.ds(base, rows_per_tile)],
                        out_hbm.at[c, pl.ds(base, rows_per_tile)])

    return agg_kernel


def _scale_body(deg_ref, x_ref, o_ref, dis_ref):
    dcol = deg_ref[0][:, :1] + deg_ref[1][:, :1]
    dis = jnp.where(dcol > 0, lax.rsqrt(jnp.where(dcol > 0, dcol, 1.0)), 0.0)
    o_ref[...] = x_ref[...] * dis
    dis_ref[...] = dis


def _finish_body(acc_ref, dis_ref, w_ref, b_ref, o_ref):
    agg = acc_ref[0] + acc_ref[1]
    h = jnp.dot(agg, w_ref[...], preferred_element_type=jnp.float32,
                precision=lax.Precision.HIGHEST)
    o_ref[...] = dis_ref[...] * h + b_ref[...]


def kernel(x, edge_index, W, b):
    n, d_in = x.shape
    d_out = W.shape[1]
    e = edge_index.shape[1]

    n_pad = ((n + 1 + NS * ZROWS - 1) // (NS * ZROWS)) * (NS * ZROWS)
    cm = CHUNK * NSEC * NB
    e_per_tile = ((e + NT * cm - 1) // (NT * cm)) * cm
    n_chunks = e_per_tile // CHUNK
    e_pad = e_per_tile * NT

    src = edge_index[0]
    dst = edge_index[1]
    pk = jnp.bitwise_or(jnp.left_shift(dst, SHIFT), src)
    et = -(-e // NT)
    if e % NT:
        pad0 = NT * et - e
        dums0 = n + (jnp.arange(pad0, dtype=jnp.int32) % (n_pad - n))
        pk = jnp.concatenate([pk, jnp.left_shift(dums0, SHIFT)])
    ppt = e_per_tile - et
    dums = n + (jnp.arange(ppt, dtype=jnp.int32) % (n_pad - n))
    pk_p = jnp.concatenate(
        [pk.reshape(NT, et),
         jnp.broadcast_to(jnp.left_shift(dums, SHIFT)[None, :], (NT, ppt))],
        axis=1,
    ).reshape(NT, n_chunks, CHUNK)

    deg_ck = 128
    deg_p = _deg_kernel(n_pad, e_per_tile // deg_ck, d_in, deg_ck)(
        pk_p.reshape(NT, e_per_tile // deg_ck, deg_ck))

    blk = 1000 if n % 1000 == 0 else min(n, 1024)
    grid = (n + blk - 1) // blk

    x2, dis = pl.pallas_call(
        _scale_body,
        grid=(grid,),
        in_specs=[
            pl.BlockSpec((NC, blk, d_in), lambda i: (0, i, 0)),
            pl.BlockSpec((blk, d_in), lambda i: (i, 0)),
        ],
        out_specs=[
            pl.BlockSpec((blk, d_in), lambda i: (i, 0)),
            pl.BlockSpec((blk, 1), lambda i: (i, 0)),
        ],
        out_shape=[
            jax.ShapeDtypeStruct((n, d_in), jnp.float32),
            jax.ShapeDtypeStruct((n, 1), jnp.float32),
        ],
    )(deg_p, x)

    acc_p = _agg_kernel(n_pad, n_chunks, d_in)(x2, pk_p)

    out = pl.pallas_call(
        _finish_body,
        grid=(grid,),
        in_specs=[
            pl.BlockSpec((NC, blk, d_in), lambda i: (0, i, 0)),
            pl.BlockSpec((blk, 1), lambda i: (i, 0)),
            pl.BlockSpec((d_in, d_out), lambda i: (0, 0)),
            pl.BlockSpec((d_out,), lambda i: (0,)),
        ],
        out_specs=pl.BlockSpec((blk, d_out), lambda i: (i, 0)),
        out_shape=jax.ShapeDtypeStruct((n, d_out), jnp.float32),
    )(acc_p, dis, W, b)

    return out

# --- scband reference (transcript-rebuilt; emitter-appended) ---
"""Pipeline reference for scband-gcn-47158740910199 (READ-ONLY COPY).

The authoritative reference and input builder live on the scoring server;
editing this copy changes nothing except your own understanding.
"""

import jax, jax.numpy as jnp
import numpy as np

N_NODES = 10000
N_EDGES = 320000
D_IN = 128
D_OUT = 128


def setup_inputs(seed: int = 0) -> dict:
    key = jax.random.key(seed)
    k1, k2, k3 = jax.random.split(key, 3)
    x = jax.random.normal(k1, (N_NODES, D_IN), dtype=jnp.float32)
    edge_index = jax.random.randint(k2, (2, N_EDGES), 0, N_NODES, dtype=jnp.int32)
    # GCNConv linear weight (PyG stores [out, in]; we use [in, out] applied as x @ W)
    W = jax.random.normal(k3, (D_IN, D_OUT), dtype=jnp.float32) * (1.0 / np.sqrt(D_IN))
    b = jnp.zeros((D_OUT,), dtype=jnp.float32)
    return {"x": x, "edge_index": edge_index, "W": W, "b": b}


def reference(x, edge_index, W, b):
    # GCNConv(add_self_loops=False, normalize=True), flow source_to_target
    src = edge_index[0]
    dst = edge_index[1]
    N = x.shape[0]
    # symmetric normalization: deg computed on dst (col) with unit edge weights
    ones = jnp.ones((src.shape[0],), dtype=x.dtype)
    deg = jax.ops.segment_sum(ones, dst, num_segments=N)
    deg_inv_sqrt = jnp.where(deg > 0, 1.0 / jnp.sqrt(jnp.where(deg > 0, deg, 1.0)), 0.0)
    norm = deg_inv_sqrt[src] * deg_inv_sqrt[dst]
    # linear transform then message passing (gather + scatter-add)
    h = x @ W
    msg = h[src] * norm[:, None]
    out = jax.ops.segment_sum(msg, dst, num_segments=N)
    out = out + b
    return out

if __name__ == "__main__":
    import jax
    _d = setup_inputs()
    print(jax.jit(kernel)(*tuple(_d.values())))

</pallas_src>

<mosaic_0001>
#map = affine_map<(d0, d1) -> (0, 0, 0)>
module attributes {stable_mosaic.version = 14 : i64} {
  func.func @deg_kernel(%arg0: i32, %arg1: i32, %arg2: memref<32x80x128xi32, #tpu.memory_space<hbm>>, %arg3: memref<2x10112x128xf32, #tpu.memory_space<hbm>>, %arg4: memref<80x128xi32, #tpu.memory_space<vmem>>, %arg5: memref<128x128xf32, #tpu.memory_space<vmem>>, %arg6: memref<8x128xf32, #tpu.memory_space<vmem>>, %arg7: memref<10112x128xf32, #tpu.memory_space<vmem_shared>>) attributes {dimension_semantics = [#tpu.dimension_semantics<core_parallel>, #tpu.dimension_semantics<subcore_parallel>], iteration_bounds = array<i64: 2, 16>, scalar_prefetch = 0 : i64, scratch_operands = 4 : i64, tpu.core_type = #tpu.core_type<sc_vector_subcore>, window_params = [{transform_indices = #map}, {transform_indices = #map}]} {
    %mul3A = arith.constant 16 : i32
    %mul3A_0 = arith.muli %arg0, %mul3A : i32
    %add3A = arith.addi %mul3A_0, %arg1 : i32
    "tpu.region"() ({
      %run_scoped3A = tpu.sem_alloc : memref<!tpu.dma_semaphore, #tpu.memory_space<semaphore_mem>>
      %dma_start3A = arith.constant 0 : i32
      %dma_start3A_36 = arith.constant 0 : i32
      %dma_start3A_37 = tpu.memref_slice %arg2[%add3A, %dma_start3A, %dma_start3A_36] : memref<32x80x128xi32, #tpu.memory_space<hbm>> -> memref<1x80x128xi32, #tpu.memory_space<hbm>>
      %dma_start3A_38 = tpu.memref_squeeze %dma_start3A_37 : memref<1x80x128xi32, #tpu.memory_space<hbm>> -> memref<80x128xi32, #tpu.memory_space<hbm>>
      %dma_start3A_39 = arith.constant 0 : i32
      %dma_start3A_40 = arith.constant 0 : i32
      %dma_start3A_41 = tpu.memref_slice %arg2[%add3A, %dma_start3A_39, %dma_start3A_40] : memref<32x80x128xi32, #tpu.memory_space<hbm>> -> memref<1x80x128xi32, #tpu.memory_space<hbm>>
      %dma_start3A_42 = tpu.memref_squeeze %dma_start3A_41 : memref<1x80x128xi32, #tpu.memory_space<hbm>> -> memref<80x128xi32, #tpu.memory_space<hbm>>
      tpu.enqueue_dma source(%dma_start3A_42 : memref<80x128xi32, #tpu.memory_space<hbm>>) target(%arg4 : memref<80x128xi32, #tpu.memory_space<vmem>>) target_semaphore(%run_scoped3A : memref<!tpu.dma_semaphore, #tpu.memory_space<semaphore_mem>>)
      %dma_wait3A = arith.constant 0 : i32
      %dma_wait3A_43 = arith.constant 0 : i32
      %dma_wait3A_44 = tpu.memref_slice %arg2[%add3A, %dma_wait3A, %dma_wait3A_43] : memref<32x80x128xi32, #tpu.memory_space<hbm>> -> memref<1x80x128xi32, #tpu.memory_space<hbm>>
      %dma_wait3A_45 = tpu.memref_squeeze %dma_wait3A_44 : memref<1x80x128xi32, #tpu.memory_space<hbm>> -> memref<80x128xi32, #tpu.memory_space<hbm>>
      %dma_wait3A_46 = arith.constant 0 : i32
      %dma_wait3A_47 = arith.constant 0 : i32
      %dma_wait3A_48 = tpu.memref_slice %arg2[%add3A, %dma_wait3A_46, %dma_wait3A_47] : memref<32x80x128xi32, #tpu.memory_space<hbm>> -> memref<1x80x128xi32, #tpu.memory_space<hbm>>
      %dma_wait3A_49 = tpu.memref_squeeze %dma_wait3A_48 : memref<1x80x128xi32, #tpu.memory_space<hbm>> -> memref<80x128xi32, #tpu.memory_space<hbm>>
      tpu.wait_dma2 semaphore(%run_scoped3A : memref<!tpu.dma_semaphore, #tpu.memory_space<semaphore_mem>>) src(%dma_wait3A_49 : memref<80x128xi32, #tpu.memory_space<hbm>>) dst(%arg4 : memref<80x128xi32, #tpu.memory_space<vmem>>)
      tpu.yield
    }) : () -> ()
    %scan3A = arith.constant 0 : i32
    %scan3A_1 = arith.constant 0 : i32
    %scan3A_2 = arith.constant 80 : i32
    %scan3A_3 = arith.addi %scan3A_1, %scan3A_2 : i32
    %scan3A_4 = arith.constant 1 : i32
    scf.for %scan3A_36 = %scan3A_1 to %scan3A_3 step %scan3A_4  : i32 {
      %get3A = arith.index_cast %scan3A_36 : i32 to index
      %get3A_37 = arith.constant 0 : index
      %get3A_38 = tpu.vector_load %arg4[%get3A, %get3A_37] {strides = array<i32>} : memref<80x128xi32, #tpu.memory_space<vmem>>, vector<1x16xi32>,
      %get3A_39 = vector.shape_cast %get3A_38 : vector<1x16xi32> to vector<16xi32>
      %shift_right_logical3A = arith.constant 14 : i32
      %shift_right_logical3A_40 = vector.broadcast %shift_right_logical3A : i32 to vector<16xi32>
      %shift_right_logical3A_41 = arith.shrui %get3A_39, %shift_right_logical3A_40 : vector<16xi32>
      %swap3A = arith.index_cast %scan3A_36 : i32 to index
      %swap3A_42 = arith.constant 0 : index
      %swap3A_43 = tpu.vector_load %arg4[%swap3A, %swap3A_42] {strides = array<i32>} : memref<80x128xi32, #tpu.memory_space<vmem>>, vector<1x16xi32>,
      %swap3A_44 = vector.shape_cast %swap3A_43 : vector<1x16xi32> to vector<16xi32>
      %swap3A_45 = vector.shape_cast %shift_right_logical3A_41 : vector<16xi32> to vector<1x16xi32>
      tpu.vector_store %arg4[%swap3A, %swap3A_42], %swap3A_45 {strides = array<i32>} : memref<80x128xi32, #tpu.memory_space<vmem>>, vector<1x16xi32>,
      %get3A_46 = arith.index_cast %scan3A_36 : i32 to index
      %get3A_47 = arith.constant 16 : index
      %get3A_48 = tpu.vector_load %arg4[%get3A_46, %get3A_47] {strides = array<i32>} : memref<80x128xi32, #tpu.memory_space<vmem>>, vector<1x16xi32>,
      %get3A_49 = vector.shape_cast %get3A_48 : vector<1x16xi32> to vector<16xi32>
      %shift_right_logical3A_50 = arith.constant 14 : i32
      %shift_right_logical3A_51 = vector.broadcast %shift_right_logical3A_50 : i32 to vector<16xi32>
      %shift_right_logical3A_52 = arith.shrui %get3A_49, %shift_right_logical3A_51 : vector<16xi32>
      %swap3A_53 = arith.index_cast %scan3A_36 : i32 to index
      %swap3A_54 = arith.constant 16 : index
      %swap3A_55 = tpu.vector_load %arg4[%swap3A_53, %swap3A_54] {strides = array<i32>} : memref<80x128xi32, #tpu.memory_space<vmem>>, vector<1x16xi32>,
      %swap3A_56 = vector.shape_cast %swap3A_55 : vector<1x16xi32> to vector<16xi32>
      %swap3A_57 = vector.shape_cast %shift_right_logical3A_52 : vector<16xi32> to vector<1x16xi32>
      tpu.vector_store %arg4[%swap3A_53, %swap3A_54], %swap3A_57 {strides = array<i32>} : memref<80x128xi32, #tpu.memory_space<vmem>>, vector<1x16xi32>,
      %get3A_58 = arith.index_cast %scan3A_36 : i32 to index
      %get3A_59 = arith.constant 32 : index
      %get3A_60 = tpu.vector_load %arg4[%get3A_58, %get3A_59] {strides = array<i32>} : memref<80x128xi32, #tpu.memory_space<vmem>>, vector<1x16xi32>,
      %get3A_61 = vector.shape_cast %get3A_60 : vector<1x16xi32> to vector<16xi32>
      %shift_right_logical3A_62 = arith.constant 14 : i32
      %shift_right_logical3A_63 = vector.broadcast %shift_right_logical3A_62 : i32 to vector<16xi32>
      %shift_right_logical3A_64 = arith.shrui %get3A_61, %shift_right_logical3A_63 : vector<16xi32>
      %swap3A_65 = arith.index_cast %scan3A_36 : i32 to index
      %swap3A_66 = arith.constant 32 : index
      %swap3A_67 = tpu.vector_load %arg4[%swap3A_65, %swap3A_66] {strides = array<i32>} : memref<80x128xi32, #tpu.memory_space<vmem>>, vector<1x16xi32>,
      %swap3A_68 = vector.shape_cast %swap3A_67 : vector<1x16xi32> to vector<16xi32>
      %swap3A_69 = vector.shape_cast %shift_right_logical3A_64 : vector<16xi32> to vector<1x16xi32>
      tpu.vector_store %arg4[%swap3A_65, %swap3A_66], %swap3A_69 {strides = array<i32>} : memref<80x128xi32, #tpu.memory_space<vmem>>, vector<1x16xi32>,
      %get3A_70 = arith.index_cast %scan3A_36 : i32 to index
      %get3A_71 = arith.constant 48 : index
      %get3A_72 = tpu.vector_load %arg4[%get3A_70, %get3A_71] {strides = array<i32>} : memref<80x128xi32, #tpu.memory_space<vmem>>, vector<1x16xi32>,
      %get3A_73 = vector.shape_cast %get3A_72 : vector<1x16xi32> to vector<16xi32>
      %shift_right_logical3A_74 = arith.constant 14 : i32
      %shift_right_logical3A_75 = vector.broadcast %shift_right_logical3A_74 : i32 to vector<16xi32>
      %shift_right_logical3A_76 = arith.shrui %get3A_73, %shift_right_logical3A_75 : vector<16xi32>
      %swap3A_77 = arith.index_cast %scan3A_36 : i32 to index
      %swap3A_78 = arith.constant 48 : index
      %swap3A_79 = tpu.vector_load %arg4[%swap3A_77, %swap3A_78] {strides = array<i32>} : memref<80x128xi32, #tpu.memory_space<vmem>>, vector<1x16xi32>,
      %swap3A_80 = vector.shape_cast %swap3A_79 : vector<1x16xi32> to vector<16xi32>
      %swap3A_81 = vector.shape_cast %shift_right_logical3A_76 : vector<16xi32> to vector<1x16xi32>
      tpu.vector_store %arg4[%swap3A_77, %swap3A_78], %swap3A_81 {strides = array<i32>} : memref<80x128xi32, #tpu.memory_space<vmem>>, vector<1x16xi32>,
      %get3A_82 = arith.index_cast %scan3A_36 : i32 to index
      %get3A_83 = arith.constant 64 : index
      %get3A_84 = tpu.vector_load %arg4[%get3A_82, %get3A_83] {strides = array<i32>} : memref<80x128xi32, #tpu.memory_space<vmem>>, vector<1x16xi32>,
      %get3A_85 = vector.shape_cast %get3A_84 : vector<1x16xi32> to vector<16xi32>
      %shift_right_logical3A_86 = arith.constant 14 : i32
      %shift_right_logical3A_87 = vector.broadcast %shift_right_logical3A_86 : i32 to vector<16xi32>
      %shift_right_logical3A_88 = arith.shrui %get3A_85, %shift_right_logical3A_87 : vector<16xi32>
      %swap3A_89 = arith.index_cast %scan3A_36 : i32 to index
      %swap3A_90 = arith.constant 64 : index
      %swap3A_91 = tpu.vector_load %arg4[%swap3A_89, %swap3A_90] {strides = array<i32>} : memref<80x128xi32, #tpu.memory_space<vmem>>, vector<1x16xi32>,
      %swap3A_92 = vector.shape_cast %swap3A_91 : vector<1x16xi32> to vector<16xi32>
      %swap3A_93 = vector.shape_cast %shift_right_logical3A_88 : vector<16xi32> to vector<1x16xi32>
      tpu.vector_store %arg4[%swap3A_89, %swap3A_90], %swap3A_93 {strides = array<i32>} : memref<80x128xi32, #tpu.memory_space<vmem>>, vector<1x16xi32>,
      %get3A_94 = arith.index_cast %scan3A_36 : i32 to index
      %get3A_95 = arith.constant 80 : index
      %get3A_96 = tpu.vector_load %arg4[%get3A_94, %get3A_95] {strides = array<i32>} : memref<80x128xi32, #tpu.memory_space<vmem>>, vector<1x16xi32>,
      %get3A_97 = vector.shape_cast %get3A_96 : vector<1x16xi32> to vector<16xi32>
      %shift_right_logical3A_98 = arith.constant 14 : i32
      %shift_right_logical3A_99 = vector.broadcast %shift_right_logical3A_98 : i32 to vector<16xi32>
      %shift_right_logical3A_100 = arith.shrui %get3A_97, %shift_right_logical3A_99 : vector<16xi32>
      %swap3A_101 = arith.index_cast %scan3A_36 : i32 to index
      %swap3A_102 = arith.constant 80 : index
      %swap3A_103 = tpu.vector_load %arg4[%swap3A_101, %swap3A_102] {strides = array<i32>} : memref<80x128xi32, #tpu.memory_space<vmem>>, vector<1x16xi32>,
      %swap3A_104 = vector.shape_cast %swap3A_103 : vector<1x16xi32> to vector<16xi32>
      %swap3A_105 = vector.shape_cast %shift_right_logical3A_100 : vector<16xi32> to vector<1x16xi32>
      tpu.vector_store %arg4[%swap3A_101, %swap3A_102], %swap3A_105 {strides = array<i32>} : memref<80x128xi32, #tpu.memory_space<vmem>>, vector<1x16xi32>,
      %get3A_106 = arith.index_cast %scan3A_36 : i32 to index
      %get3A_107 = arith.constant 96 : index
      %get3A_108 = tpu.vector_load %arg4[%get3A_106, %get3A_107] {strides = array<i32>} : memref<80x128xi32, #tpu.memory_space<vmem>>, vector<1x16xi32>,
      %get3A_109 = vector.shape_cast %get3A_108 : vector<1x16xi32> to vector<16xi32>
      %shift_right_logical3A_110 = arith.constant 14 : i32
      %shift_right_logical3A_111 = vector.broadcast %shift_right_logical3A_110 : i32 to vector<16xi32>
      %shift_right_logical3A_112 = arith.shrui %get3A_109, %shift_right_logical3A_111 : vector<16xi32>
      %swap3A_113 = arith.index_cast %scan3A_36 : i32 to index
      %swap3A_114 = arith.constant 96 : index
      %swap3A_115 = tpu.vector_load %arg4[%swap3A_113, %swap3A_114] {strides = array<i32>} : memref<80x128xi32, #tpu.memory_space<vmem>>, vector<1x16xi32>,
      %swap3A_116 = vector.shape_cast %swap3A_115 : vector<1x16xi32> to vector<16xi32>
      %swap3A_117 = vector.shape_cast %shift_right_logical3A_112 : vector<16xi32> to vector<1x16xi32>
      tpu.vector_store %arg4[%swap3A_113, %swap3A_114], %swap3A_117 {strides = array<i32>} : memref<80x128xi32, #tpu.memory_space<vmem>>, vector<1x16xi32>,
      %get3A_118 = arith.index_cast %scan3A_36 : i32 to index
      %get3A_119 = arith.constant 112 : index
      %get3A_120 = tpu.vector_load %arg4[%get3A_118, %get3A_119] {strides = array<i32>} : memref<80x128xi32, #tpu.memory_space<vmem>>, vector<1x16xi32>,
      %get3A_121 = vector.shape_cast %get3A_120 : vector<1x16xi32> to vector<16xi32>
      %shift_right_logical3A_122 = arith.constant 14 : i32
      %shift_right_logical3A_123 = vector.broadcast %shift_right_logical3A_122 : i32 to vector<16xi32>
      %shift_right_logical3A_124 = arith.shrui %get3A_121, %shift_right_logical3A_123 : vector<16xi32>
      %swap3A_125 = arith.index_cast %scan3A_36 : i32 to index
      %swap3A_126 = arith.constant 112 : index
      %swap3A_127 = tpu.vector_load %arg4[%swap3A_125, %swap3A_126] {strides = array<i32>} : memref<80x128xi32, #tpu.memory_space<vmem>>, vector<1x16xi32>,
      %swap3A_128 = vector.shape_cast %swap3A_127 : vector<1x16xi32> to vector<16xi32>
      %swap3A_129 = vector.shape_cast %shift_right_logical3A_124 : vector<16xi32> to vector<1x16xi32>
      tpu.vector_store %arg4[%swap3A_125, %swap3A_126], %swap3A_129 {strides = array<i32>} : memref<80x128xi32, #tpu.memory_space<vmem>>, vector<1x16xi32>,
    }
    %scan3A_5 = arith.constant 80 : i32
    %broadcast_in_dim3A = arith.constant 1.000000e+00 : f32
    %broadcast_in_dim3A_6 = vector.broadcast %broadcast_in_dim3A : f32 to vector<16xf32>
    %broadcast_in_dim3A_7 = arith.constant 0.000000e+00 : f32
    %broadcast_in_dim3A_8 = vector.broadcast %broadcast_in_dim3A_7 : f32 to vector<16xf32>
    %scan3A_9 = arith.constant 0 : i32
    %scan3A_10 = arith.constant 0 : i32
    %scan3A_11 = arith.constant 128 : i32
    %scan3A_12 = arith.addi %scan3A_10, %scan3A_11 : i32
    %scan3A_13 = arith.constant 1 : i32
    scf.for %scan3A_36 = %scan3A_10 to %scan3A_12 step %scan3A_13  : i32 {
      %swap3A = arith.index_cast %scan3A_36 : i32 to index
      %swap3A_37 = arith.constant 0 : index
      %swap3A_38 = tpu.vector_load %arg5[%swap3A, %swap3A_37] {strides = array<i32>} : memref<128x128xf32, #tpu.memory_space<vmem>>, vector<1x16xf32>,
      %swap3A_39 = vector.shape_cast %swap3A_38 : vector<1x16xf32> to vector<16xf32>
      %swap3A_40 = vector.shape_cast %broadcast_in_dim3A_6 : vector<16xf32> to vector<1x16xf32>
      tpu.vector_store %arg5[%swap3A, %swap3A_37], %swap3A_40 {strides = array<i32>} : memref<128x128xf32, #tpu.memory_space<vmem>>, vector<1x16xf32>,
      %swap3A_41 = arith.index_cast %scan3A_36 : i32 to index
      %swap3A_42 = arith.constant 16 : index
      %swap3A_43 = tpu.vector_load %arg5[%swap3A_41, %swap3A_42] {strides = array<i32>} : memref<128x128xf32, #tpu.memory_space<vmem>>, vector<1x16xf32>,
      %swap3A_44 = vector.shape_cast %swap3A_43 : vector<1x16xf32> to vector<16xf32>
      %swap3A_45 = vector.shape_cast %broadcast_in_dim3A_6 : vector<16xf32> to vector<1x16xf32>
      tpu.vector_store %arg5[%swap3A_41, %swap3A_42], %swap3A_45 {strides = array<i32>} : memref<128x128xf32, #tpu.memory_space<vmem>>, vector<1x16xf32>,
      %swap3A_46 = arith.index_cast %scan3A_36 : i32 to index
      %swap3A_47 = arith.constant 32 : index
      %swap3A_48 = tpu.vector_load %arg5[%swap3A_46, %swap3A_47] {strides = array<i32>} : memref<128x128xf32, #tpu.memory_space<vmem>>, vector<1x16xf32>,
      %swap3A_49 = vector.shape_cast %swap3A_48 : vector<1x16xf32> to vector<16xf32>
      %swap3A_50 = vector.shape_cast %broadcast_in_dim3A_6 : vector<16xf32> to vector<1x16xf32>
      tpu.vector_store %arg5[%swap3A_46, %swap3A_47], %swap3A_50 {strides = array<i32>} : memref<128x128xf32, #tpu.memory_space<vmem>>, vector<1x16xf32>,
      %swap3A_51 = arith.index_cast %scan3A_36 : i32 to index
      %swap3A_52 = arith.constant 48 : index
      %swap3A_53 = tpu.vector_load %arg5[%swap3A_51, %swap3A_52] {strides = array<i32>} : memref<128x128xf32, #tpu.memory_space<vmem>>, vector<1x16xf32>,
      %swap3A_54 = vector.shape_cast %swap3A_53 : vector<1x16xf32> to vector<16xf32>
      %swap3A_55 = vector.shape_cast %broadcast_in_dim3A_6 : vector<16xf32> to vector<1x16xf32>
      tpu.vector_store %arg5[%swap3A_51, %swap3A_52], %swap3A_55 {strides = array<i32>} : memref<128x128xf32, #tpu.memory_space<vmem>>, vector<1x16xf32>,
      %swap3A_56 = arith.index_cast %scan3A_36 : i32 to index
      %swap3A_57 = arith.constant 64 : index
      %swap3A_58 = tpu.vector_load %arg5[%swap3A_56, %swap3A_57] {strides = array<i32>} : memref<128x128xf32, #tpu.memory_space<vmem>>, vector<1x16xf32>,
      %swap3A_59 = vector.shape_cast %swap3A_58 : vector<1x16xf32> to vector<16xf32>
      %swap3A_60 = vector.shape_cast %broadcast_in_dim3A_6 : vector<16xf32> to vector<1x16xf32>
      tpu.vector_store %arg5[%swap3A_56, %swap3A_57], %swap3A_60 {strides = array<i32>} : memref<128x128xf32, #tpu.memory_space<vmem>>, vector<1x16xf32>,
      %swap3A_61 = arith.index_cast %scan3A_36 : i32 to index
      %swap3A_62 = arith.constant 80 : index
      %swap3A_63 = tpu.vector_load %arg5[%swap3A_61, %swap3A_62] {strides = array<i32>} : memref<128x128xf32, #tpu.memory_space<vmem>>, vector<1x16xf32>,
      %swap3A_64 = vector.shape_cast %swap3A_63 : vector<1x16xf32> to vector<16xf32>
      %swap3A_65 = vector.shape_cast %broadcast_in_dim3A_6 : vector<16xf32> to vector<1x16xf32>
      tpu.vector_store %arg5[%swap3A_61, %swap3A_62], %swap3A_65 {strides = array<i32>} : memref<128x128xf32, #tpu.memory_space<vmem>>, vector<1x16xf32>,
      %swap3A_66 = arith.index_cast %scan3A_36 : i32 to index
      %swap3A_67 = arith.constant 96 : index
      %swap3A_68 = tpu.vector_load %arg5[%swap3A_66, %swap3A_67] {strides = array<i32>} : memref<128x128xf32, #tpu.memory_space<vmem>>, vector<1x16xf32>,
      %swap3A_69 = vector.shape_cast %swap3A_68 : vector<1x16xf32> to vector<16xf32>
      %swap3A_70 = vector.shape_cast %broadcast_in_dim3A_6 : vector<16xf32> to vector<1x16xf32>
      tpu.vector_store %arg5[%swap3A_66, %swap3A_67], %swap3A_70 {strides = array<i32>} : memref<128x128xf32, #tpu.memory_space<vmem>>, vector<1x16xf32>,
      %swap3A_71 = arith.index_cast %scan3A_36 : i32 to index
      %swap3A_72 = arith.constant 112 : index
      %swap3A_73 = tpu.vector_load %arg5[%swap3A_71, %swap3A_72] {strides = array<i32>} : memref<128x128xf32, #tpu.memory_space<vmem>>, vector<1x16xf32>,
      %swap3A_74 = vector.shape_cast %swap3A_73 : vector<1x16xf32> to vector<16xf32>
      %swap3A_75 = vector.shape_cast %broadcast_in_dim3A_6 : vector<16xf32> to vector<1x16xf32>
      tpu.vector_store %arg5[%swap3A_71, %swap3A_72], %swap3A_75 {strides = array<i32>} : memref<128x128xf32, #tpu.memory_space<vmem>>, vector<1x16xf32>,
    }
    %scan3A_14 = arith.constant 128 : i32
    %scan3A_15 = arith.constant 0 : i32
    %scan3A_16 = arith.constant 0 : i32
    %scan3A_17 = arith.constant 8 : i32
    %scan3A_18 = arith.addi %scan3A_16, %scan3A_17 : i32
    %scan3A_19 = arith.constant 1 : i32
    scf.for %scan3A_36 = %scan3A_16 to %scan3A_18 step %scan3A_19  : i32 {
      %swap3A = arith.index_cast %scan3A_36 : i32 to index
      %swap3A_37 = arith.constant 0 : index
      %swap3A_38 = tpu.vector_load %arg6[%swap3A, %swap3A_37] {strides = array<i32>} : memref<8x128xf32, #tpu.memory_space<vmem>>, vector<1x16xf32>,
      %swap3A_39 = vector.shape_cast %swap3A_38 : vector<1x16xf32> to vector<16xf32>
      %swap3A_40 = vector.shape_cast %broadcast_in_dim3A_8 : vector<16xf32> to vector<1x16xf32>
      tpu.vector_store %arg6[%swap3A, %swap3A_37], %swap3A_40 {strides = array<i32>} : memref<8x128xf32, #tpu.memory_space<vmem>>, vector<1x16xf32>,
      %swap3A_41 = arith.index_cast %scan3A_36 : i32 to index
      %swap3A_42 = arith.constant 16 : index
      %swap3A_43 = tpu.vector_load %arg6[%swap3A_41, %swap3A_42] {strides = array<i32>} : memref<8x128xf32, #tpu.memory_space<vmem>>, vector<1x16xf32>,
      %swap3A_44 = vector.shape_cast %swap3A_43 : vector<1x16xf32> to vector<16xf32>
      %swap3A_45 = vector.shape_cast %broadcast_in_dim3A_8 : vector<16xf32> to vector<1x16xf32>
      tpu.vector_store %arg6[%swap3A_41, %swap3A_42], %swap3A_45 {strides = array<i32>} : memref<8x128xf32, #tpu.memory_space<vmem>>, vector<1x16xf32>,
      %swap3A_46 = arith.index_cast %scan3A_36 : i32 to index
      %swap3A_47 = arith.constant 32 : index
      %swap3A_48 = tpu.vector_load %arg6[%swap3A_46, %swap3A_47] {strides = array<i32>} : memref<8x128xf32, #tpu.memory_space<vmem>>, vector<1x16xf32>,
      %swap3A_49 = vector.shape_cast %swap3A_48 : vector<1x16xf32> to vector<16xf32>
      %swap3A_50 = vector.shape_cast %broadcast_in_dim3A_8 : vector<16xf32> to vector<1x16xf32>
      tpu.vector_store %arg6[%swap3A_46, %swap3A_47], %swap3A_50 {strides = array<i32>} : memref<8x128xf32, #tpu.memory_space<vmem>>, vector<1x16xf32>,
      %swap3A_51 = arith.index_cast %scan3A_36 : i32 to index
      %swap3A_52 = arith.constant 48 : index
      %swap3A_53 = tpu.vector_load %arg6[%swap3A_51, %swap3A_52] {strides = array<i32>} : memref<8x128xf32, #tpu.memory_space<vmem>>, vector<1x16xf32>,
      %swap3A_54 = vector.shape_cast %swap3A_53 : vector<1x16xf32> to vector<16xf32>
      %swap3A_55 = vector.shape_cast %broadcast_in_dim3A_8 : vector<16xf32> to vector<1x16xf32>
      tpu.vector_store %arg6[%swap3A_51, %swap3A_52], %swap3A_55 {strides = array<i32>} : memref<8x128xf32, #tpu.memory_space<vmem>>, vector<1x16xf32>,
      %swap3A_56 = arith.index_cast %scan3A_36 : i32 to index
      %swap3A_57 = arith.constant 64 : index
      %swap3A_58 = tpu.vector_load %arg6[%swap3A_56, %swap3A_57] {strides = array<i32>} : memref<8x128xf32, #tpu.memory_space<vmem>>, vector<1x16xf32>,
      %swap3A_59 = vector.shape_cast %swap3A_58 : vector<1x16xf32> to vector<16xf32>
      %swap3A_60 = vector.shape_cast %broadcast_in_dim3A_8 : vector<16xf32> to vector<1x16xf32>
      tpu.vector_store %arg6[%swap3A_56, %swap3A_57], %swap3A_60 {strides = array<i32>} : memref<8x128xf32, #tpu.memory_space<vmem>>, vector<1x16xf32>,
      %swap3A_61 = arith.index_cast %scan3A_36 : i32 to index
      %swap3A_62 = arith.constant 80 : index
      %swap3A_63 = tpu.vector_load %arg6[%swap3A_61, %swap3A_62] {strides = array<i32>} : memref<8x128xf32, #tpu.memory_space<vmem>>, vector<1x16xf32>,
      %swap3A_64 = vector.shape_cast %swap3A_63 : vector<1x16xf32> to vector<16xf32>
      %swap3A_65 = vector.shape_cast %broadcast_in_dim3A_8 : vector<16xf32> to vector<1x16xf32>
      tpu.vector_store %arg6[%swap3A_61, %swap3A_62], %swap3A_65 {strides = array<i32>} : memref<8x128xf32, #tpu.memory_space<vmem>>, vector<1x16xf32>,
      %swap3A_66 = arith.index_cast %scan3A_36 : i32 to index
      %swap3A_67 = arith.constant 96 : index
      %swap3A_68 = tpu.vector_load %arg6[%swap3A_66, %swap3A_67] {strides = array<i32>} : memref<8x128xf32, #tpu.memory_space<vmem>>, vector<1x16xf32>,
      %swap3A_69 = vector.shape_cast %swap3A_68 : vector<1x16xf32> to vector<16xf32>
      %swap3A_70 = vector.shape_cast %broadcast_in_dim3A_8 : vector<16xf32> to vector<1x16xf32>
      tpu.vector_store %arg6[%swap3A_66, %swap3A_67], %swap3A_70 {strides = array<i32>} : memref<8x128xf32, #tpu.memory_space<vmem>>, vector<1x16xf32>,
      %swap3A_71 = arith.index_cast %scan3A_36 : i32 to index
      %swap3A_72 = arith.constant 112 : index
      %swap3A_73 = tpu.vector_load %arg6[%swap3A_71, %swap3A_72] {strides = array<i32>} : memref<8x128xf32, #tpu.memory_space<vmem>>, vector<1x16xf32>,
      %swap3A_74 = vector.shape_cast %swap3A_73 : vector<1x16xf32> to vector<16xf32>
      %swap3A_75 = vector.shape_cast %broadcast_in_dim3A_8 : vector<16xf32> to vector<1x16xf32>
      tpu.vector_store %arg6[%swap3A_71, %swap3A_72], %swap3A_75 {strides = array<i32>} : memref<8x128xf32, #tpu.memory_space<vmem>>, vector<1x16xf32>,
    }
    %scan3A_20 = arith.constant 8 : i32
    %mul3A_21 = arith.constant 632 : i32
    %mul3A_22 = arith.muli %arg1, %mul3A_21 : i32
    %scan3A_23 = arith.constant 0 : i32
    %scan3A_24 = arith.constant 0 : i32
    %scan3A_25 = arith.constant 79 : i32
    %scan3A_26 = arith.addi %scan3A_24, %scan3A_25 : i32
    %scan3A_27 = arith.constant 1 : i32
    scf.for %scan3A_36 = %scan3A_24 to %scan3A_26 step %scan3A_27  : i32 {
      %mul3A_37 = arith.constant 8 : i32
      %mul3A_38 = arith.muli %scan3A_36, %mul3A_37 : i32
      %add3A_39 = arith.addi %mul3A_22, %mul3A_38 : i32
      "tpu.region"() ({
        %run_scoped3A = tpu.sem_alloc : memref<!tpu.dma_semaphore, #tpu.memory_space<semaphore_mem>>
        %dma_start3A = arith.constant 0 : i32
        %dma_start3A_40 = tpu.memref_slice %arg7[%add3A_39, %dma_start3A] : memref<10112x128xf32, #tpu.memory_space<vmem_shared>> -> memref<8x128xf32, #tpu.memory_space<vmem_shared>>
        %dma_start3A_41 = arith.constant 0 : i32
        %dma_start3A_42 = tpu.memref_slice %arg7[%add3A_39, %dma_start3A_41] : memref<10112x128xf32, #tpu.memory_space<vmem_shared>> -> memref<8x128xf32, #tpu.memory_space<vmem_shared>>
        tpu.enqueue_dma source(%arg6 : memref<8x128xf32, #tpu.memory_space<vmem>>) target(%dma_start3A_42 : memref<8x128xf32, #tpu.memory_space<vmem_shared>>) target_semaphore(%run_scoped3A : memref<!tpu.dma_semaphore, #tpu.memory_space<semaphore_mem>>)
        %dma_wait3A = arith.constant 0 : i32
        %dma_wait3A_43 = tpu.memref_slice %arg7[%add3A_39, %dma_wait3A] : memref<10112x128xf32, #tpu.memory_space<vmem_shared>> -> memref<8x128xf32, #tpu.memory_space<vmem_shared>>
        %dma_wait3A_44 = arith.constant 0 : i32
        %dma_wait3A_45 = tpu.memref_slice %arg7[%add3A_39, %dma_wait3A_44] : memref<10112x128xf32, #tpu.memory_space<vmem_shared>> -> memref<8x128xf32, #tpu.memory_space<vmem_shared>>
        tpu.wait_dma2 semaphore(%run_scoped3A : memref<!tpu.dma_semaphore, #tpu.memory_space<semaphore_mem>>) src(%arg6 : memref<8x128xf32, #tpu.memory_space<vmem>>) dst(%dma_wait3A_45 : memref<8x128xf32, #tpu.memory_space<vmem_shared>>)
        tpu.yield
      }) : () -> ()
    }
    %scan3A_28 = arith.constant 79 : i32
    %barrier3A = arith.constant 0 : index
    tpu.barrier barrier_id(%barrier3A)
    %scan3A_29 = arith.constant 0 : i32
    %scan3A_30 = arith.constant 0 : i32
    %scan3A_31 = arith.constant 80 : i32
    %scan3A_32 = arith.addi %scan3A_30, %scan3A_31 : i32
    %scan3A_33 = arith.constant 1 : i32
    scf.for %scan3A_36 = %scan3A_30 to %scan3A_32 step %scan3A_33  : i32 {
      "tpu.region"() ({
        %run_scoped3A = tpu.sem_alloc : memref<!tpu.dma_semaphore, #tpu.memory_space<semaphore_mem>>
        %dma_start3A = arith.constant 0 : i32
        %dma_start3A_37 = tpu.memref_slice %arg4[%scan3A_36, %dma_start3A] : memref<80x128xi32, #tpu.memory_space<vmem>> -> memref<1x128xi32, #tpu.memory_space<vmem>>
        %dma_start3A_38 = tpu.memref_squeeze %dma_start3A_37 : memref<1x128xi32, #tpu.memory_space<vmem>> -> memref<128xi32, #tpu.memory_space<vmem>>
        %dma_start3A_39 = arith.constant 0 : i32
        %dma_start3A_40 = arith.constant 0 : i32
        %dma_start3A_41 = tpu.memref_slice %arg7[%dma_start3A_39, %dma_start3A_40] : memref<10112x128xf32, #tpu.memory_space<vmem_shared>> -> memref<10112x128xf32, #tpu.memory_space<vmem_shared>>
        tpu.enqueue_indirect_dma source(%arg5 : memref<128x128xf32, #tpu.memory_space<vmem>>) target(%dma_start3A_41 : memref<10112x128xf32, #tpu.memory_space<vmem_shared>>) offsets(%dma_start3A_38 : memref<128xi32, #tpu.memory_space<vmem>>) semaphore(%run_scoped3A : memref<!tpu.dma_semaphore, #tpu.memory_space<semaphore_mem>>) {add = true}
        %dma_wait3A = arith.constant 0 : i32
        %dma_wait3A_42 = tpu.memref_slice %arg4[%scan3A_36, %dma_wait3A] : memref<80x128xi32, #tpu.memory_space<vmem>> -> memref<1x128xi32, #tpu.memory_space<vmem>>
        %dma_wait3A_43 = tpu.memref_squeeze %dma_wait3A_42 : memref<1x128xi32, #tpu.memory_space<vmem>> -> memref<128xi32, #tpu.memory_space<vmem>>
        %dma_wait3A_44 = arith.constant 0 : i32
        %dma_wait3A_45 = arith.constant 0 : i32
        %dma_wait3A_46 = tpu.memref_slice %arg7[%dma_wait3A_44, %dma_wait3A_45] : memref<10112x128xf32, #tpu.memory_space<vmem_shared>> -> memref<10112x128xf32, #tpu.memory_space<vmem_shared>>
        tpu.wait_indirect_dma semaphore(%run_scoped3A : memref<!tpu.dma_semaphore, #tpu.memory_space<semaphore_mem>>) src(%arg5 : memref<128x128xf32, #tpu.memory_space<vmem>>) dst(%dma_wait3A_46 : memref<10112x128xf32, #tpu.memory_space<vmem_shared>>)
        tpu.yield
      }) : () -> ()
    }
    %scan3A_34 = arith.constant 80 : i32
    %barrier3A_35 = arith.constant 0 : index
    tpu.barrier barrier_id(%barrier3A_35)
    "tpu.region"() ({
      %run_scoped3A = tpu.sem_alloc : memref<!tpu.dma_semaphore, #tpu.memory_space<semaphore_mem>>
      %dma_start3A = arith.constant 0 : i32
      %dma_start3A_36 = tpu.memref_slice %arg3[%arg0, %mul3A_22, %dma_start3A] : memref<2x10112x128xf32, #tpu.memory_space<hbm>> -> memref<1x632x128xf32, #tpu.memory_space<hbm>>
      %dma_start3A_37 = tpu.memref_squeeze %dma_start3A_36 : memref<1x632x128xf32, #tpu.memory_space<hbm>> -> memref<632x128xf32, #tpu.memory_space<hbm>>
      %dma_start3A_38 = arith.constant 0 : i32
      %dma_start3A_39 = tpu.memref_slice %arg7[%mul3A_22, %dma_start3A_38] : memref<10112x128xf32, #tpu.memory_space<vmem_shared>> -> memref<632x128xf32, #tpu.memory_space<vmem_shared>>
      tpu.enqueue_dma source(%dma_start3A_39 : memref<632x128xf32, #tpu.memory_space<vmem_shared>>) target(%dma_start3A_37 : memref<632x128xf32, #tpu.memory_space<hbm>>) target_semaphore(%run_scoped3A : memref<!tpu.dma_semaphore, #tpu.memory_space<semaphore_mem>>)
      %dma_wait3A = arith.constant 0 : i32
      %dma_wait3A_40 = tpu.memref_slice %arg3[%arg0, %mul3A_22, %dma_wait3A] : memref<2x10112x128xf32, #tpu.memory_space<hbm>> -> memref<1x632x128xf32, #tpu.memory_space<hbm>>
      %dma_wait3A_41 = tpu.memref_squeeze %dma_wait3A_40 : memref<1x632x128xf32, #tpu.memory_space<hbm>> -> memref<632x128xf32, #tpu.memory_space<hbm>>
      %dma_wait3A_42 = arith.constant 0 : i32
      %dma_wait3A_43 = tpu.memref_slice %arg7[%mul3A_22, %dma_wait3A_42] : memref<10112x128xf32, #tpu.memory_space<vmem_shared>> -> memref<632x128xf32, #tpu.memory_space<vmem_shared>>
      tpu.wait_dma2 semaphore(%run_scoped3A : memref<!tpu.dma_semaphore, #tpu.memory_space<semaphore_mem>>) src(%dma_wait3A_43 : memref<632x128xf32, #tpu.memory_space<vmem_shared>>) dst(%dma_wait3A_41 : memref<632x128xf32, #tpu.memory_space<hbm>>)
      tpu.yield
    }) : () -> ()
    return
  }
}

#map = affine_map<(d0, d1) -> (0, 0)>
#map1 = affine_map<(d0, d1) -> (0, 0, 0)>
module attributes {stable_mosaic.version = 14 : i64} {
  func.func @agg_kernel(%arg0: i32, %arg1: i32, %arg2: memref<10000x128xf32, #tpu.memory_space<hbm>>, %arg3: memref<32x160x64xi32, #tpu.memory_space<hbm>>, %arg4: memref<2x10112x128xf32, #tpu.memory_space<hbm>>, %arg5: memref<80x64xi32, #tpu.memory_space<vmem>>, %arg6: memref<80x64xi32, #tpu.memory_space<vmem>>, %arg7: memref<64x128xf32, #tpu.memory_space<vmem>>, %arg8: memref<64x128xf32, #tpu.memory_space<vmem>>, %arg9: memref<10112x128xf32, #tpu.memory_space<vmem_shared>>, %arg10: memref<!tpu.dma_semaphore, #tpu.memory_space<semaphore_mem>>, %arg11: memref<!tpu.dma_semaphore, #tpu.memory_space<semaphore_mem>>) attributes {dimension_semantics = [#tpu.dimension_semantics<core_parallel>, #tpu.dimension_semantics<subcore_parallel>], iteration_bounds = array<i64: 2, 16>, scalar_prefetch = 0 : i64, scratch_operands = 7 : i64, tpu.core_type = #tpu.core_type<sc_vector_subcore>, window_params = [{transform_indices = #map}, {transform_indices = #map1}, {transform_indices = #map1}]} {
    %mul3A = arith.constant 16 : i32
    %mul3A_0 = arith.muli %arg0, %mul3A : i32
    %add3A = arith.addi %mul3A_0, %arg1 : i32
    %broadcast_in_dim3A = arith.constant 0.000000e+00 : f32
    %broadcast_in_dim3A_1 = vector.broadcast %broadcast_in_dim3A : f32 to vector<16xf32>
    %scan3A = arith.constant 0 : i32
    %scan3A_2 = arith.constant 0 : i32
    %scan3A_3 = arith.constant 8 : i32
    %scan3A_4 = arith.addi %scan3A_2, %scan3A_3 : i32
    %scan3A_5 = arith.constant 1 : i32
    scf.for %scan3A_22 = %scan3A_2 to %scan3A_4 step %scan3A_5  : i32 {
      %swap3A = arith.index_cast %scan3A_22 : i32 to index
      %swap3A_23 = arith.constant 0 : index
      %swap3A_24 = tpu.vector_load %arg7[%swap3A, %swap3A_23] {strides = array<i32>} : memref<64x128xf32, #tpu.memory_space<vmem>>, vector<1x16xf32>,
      %swap3A_25 = vector.shape_cast %swap3A_24 : vector<1x16xf32> to vector<16xf32>
      %swap3A_26 = vector.shape_cast %broadcast_in_dim3A_1 : vector<16xf32> to vector<1x16xf32>
      tpu.vector_store %arg7[%swap3A, %swap3A_23], %swap3A_26 {strides = array<i32>} : memref<64x128xf32, #tpu.memory_space<vmem>>, vector<1x16xf32>,
      %swap3A_27 = arith.index_cast %scan3A_22 : i32 to index
      %swap3A_28 = arith.constant 16 : index
      %swap3A_29 = tpu.vector_load %arg7[%swap3A_27, %swap3A_28] {strides = array<i32>} : memref<64x128xf32, #tpu.memory_space<vmem>>, vector<1x16xf32>,
      %swap3A_30 = vector.shape_cast %swap3A_29 : vector<1x16xf32> to vector<16xf32>
      %swap3A_31 = vector.shape_cast %broadcast_in_dim3A_1 : vector<16xf32> to vector<1x16xf32>
      tpu.vector_store %arg7[%swap3A_27, %swap3A_28], %swap3A_31 {strides = array<i32>} : memref<64x128xf32, #tpu.memory_space<vmem>>, vector<1x16xf32>,
      %swap3A_32 = arith.index_cast %scan3A_22 : i32 to index
      %swap3A_33 = arith.constant 32 : index
      %swap3A_34 = tpu.vector_load %arg7[%swap3A_32, %swap3A_33] {strides = array<i32>} : memref<64x128xf32, #tpu.memory_space<vmem>>, vector<1x16xf32>,
      %swap3A_35 = vector.shape_cast %swap3A_34 : vector<1x16xf32> to vector<16xf32>
      %swap3A_36 = vector.shape_cast %broadcast_in_dim3A_1 : vector<16xf32> to vector<1x16xf32>
      tpu.vector_store %arg7[%swap3A_32, %swap3A_33], %swap3A_36 {strides = array<i32>} : memref<64x128xf32, #tpu.memory_space<vmem>>, vector<1x16xf32>,
      %swap3A_37 = arith.index_cast %scan3A_22 : i32 to index
      %swap3A_38 = arith.constant 48 : index
      %swap3A_39 = tpu.vector_load %arg7[%swap3A_37, %swap3A_38] {strides = array<i32>} : memref<64x128xf32, #tpu.memory_space<vmem>>, vector<1x16xf32>,
      %swap3A_40 = vector.shape_cast %swap3A_39 : vector<1x16xf32> to vector<16xf32>
      %swap3A_41 = vector.shape_cast %broadcast_in_dim3A_1 : vector<16xf32> to vector<1x16xf32>
      tpu.vector_store %arg7[%swap3A_37, %swap3A_38], %swap3A_41 {strides = array<i32>} : memref<64x128xf32, #tpu.memory_space<vmem>>, vector<1x16xf32>,
      %swap3A_42 = arith.index_cast %scan3A_22 : i32 to index
      %swap3A_43 = arith.constant 64 : index
      %swap3A_44 = tpu.vector_load %arg7[%swap3A_42, %swap3A_43] {strides = array<i32>} : memref<64x128xf32, #tpu.memory_space<vmem>>, vector<1x16xf32>,
      %swap3A_45 = vector.shape_cast %swap3A_44 : vector<1x16xf32> to vector<16xf32>
      %swap3A_46 = vector.shape_cast %broadcast_in_dim3A_1 : vector<16xf32> to vector<1x16xf32>
      tpu.vector_store %arg7[%swap3A_42, %swap3A_43], %swap3A_46 {strides = array<i32>} : memref<64x128xf32, #tpu.memory_space<vmem>>, vector<1x16xf32>,
      %swap3A_47 = arith.index_cast %scan3A_22 : i32 to index
      %swap3A_48 = arith.constant 80 : index
      %swap3A_49 = tpu.vector_load %arg7[%swap3A_47, %swap3A_48] {strides = array<i32>} : memref<64x128xf32, #tpu.memory_space<vmem>>, vector<1x16xf32>,
      %swap3A_50 = vector.shape_cast %swap3A_49 : vector<1x16xf32> to vector<16xf32>
      %swap3A_51 = vector.shape_cast %broadcast_in_dim3A_1 : vector<16xf32> to vector<1x16xf32>
      tpu.vector_store %arg7[%swap3A_47, %swap3A_48], %swap3A_51 {strides = array<i32>} : memref<64x128xf32, #tpu.memory_space<vmem>>, vector<1x16xf32>,
      %swap3A_52 = arith.index_cast %scan3A_22 : i32 to index
      %swap3A_53 = arith.constant 96 : index
      %swap3A_54 = tpu.vector_load %arg7[%swap3A_52, %swap3A_53] {strides = array<i32>} : memref<64x128xf32, #tpu.memory_space<vmem>>, vector<1x16xf32>,
      %swap3A_55 = vector.shape_cast %swap3A_54 : vector<1x16xf32> to vector<16xf32>
      %swap3A_56 = vector.shape_cast %broadcast_in_dim3A_1 : vector<16xf32> to vector<1x16xf32>
      tpu.vector_store %arg7[%swap3A_52, %swap3A_53], %swap3A_56 {strides = array<i32>} : memref<64x128xf32, #tpu.memory_space<vmem>>, vector<1x16xf32>,
      %swap3A_57 = arith.index_cast %scan3A_22 : i32 to index
      %swap3A_58 = arith.constant 112 : index
      %swap3A_59 = tpu.vector_load %arg7[%swap3A_57, %swap3A_58] {strides = array<i32>} : memref<64x128xf32, #tpu.memory_space<vmem>>, vector<1x16xf32>,
      %swap3A_60 = vector.shape_cast %swap3A_59 : vector<1x16xf32> to vector<16xf32>
      %swap3A_61 = vector.shape_cast %broadcast_in_dim3A_1 : vector<16xf32> to vector<1x16xf32>
      tpu.vector_store %arg7[%swap3A_57, %swap3A_58], %swap3A_61 {strides = array<i32>} : memref<64x128xf32, #tpu.memory_space<vmem>>, vector<1x16xf32>,
    }
    %scan3A_6 = arith.constant 8 : i32
    %mul3A_7 = arith.constant 632 : i32
    %mul3A_8 = arith.muli %arg1, %mul3A_7 : i32
    %scan3A_9 = arith.constant 0 : i32
    %scan3A_10 = arith.constant 0 : i32
    %scan3A_11 = arith.constant 79 : i32
    %scan3A_12 = arith.addi %scan3A_10, %scan3A_11 : i32
    %scan3A_13 = arith.constant 1 : i32
    scf.for %scan3A_22 = %scan3A_10 to %scan3A_12 step %scan3A_13  : i32 {
      %mul3A_23 = arith.constant 8 : i32
      %mul3A_24 = arith.muli %scan3A_22, %mul3A_23 : i32
      %add3A_25 = arith.addi %mul3A_8, %mul3A_24 : i32
      "tpu.region"() ({
        %run_scoped3A = tpu.sem_alloc : memref<!tpu.dma_semaphore, #tpu.memory_space<semaphore_mem>>
        %dma_start3A = arith.constant 0 : i32
        %dma_start3A_26 = arith.constant 0 : i32
        %dma_start3A_27 = tpu.memref_slice %arg7[%dma_start3A, %dma_start3A_26] : memref<64x128xf32, #tpu.memory_space<vmem>> -> memref<8x128xf32, #tpu.memory_space<vmem>>
        %dma_start3A_28 = arith.constant 0 : i32
        %dma_start3A_29 = tpu.memref_slice %arg9[%add3A_25, %dma_start3A_28] : memref<10112x128xf32, #tpu.memory_space<vmem_shared>> -> memref<8x128xf32, #tpu.memory_space<vmem_shared>>
        %dma_start3A_30 = arith.constant 0 : i32
        %dma_start3A_31 = tpu.memref_slice %arg9[%add3A_25, %dma_start3A_30] : memref<10112x128xf32, #tpu.memory_space<vmem_shared>> -> memref<8x128xf32, #tpu.memory_space<vmem_shared>>
        %dma_start3A_32 = arith.constant 0 : i32
        %dma_start3A_33 = arith.constant 0 : i32
        %dma_start3A_34 = tpu.memref_slice %arg7[%dma_start3A_32, %dma_start3A_33] : memref<64x128xf32, #tpu.memory_space<vmem>> -> memref<8x128xf32, #tpu.memory_space<vmem>>
        tpu.enqueue_dma source(%dma_start3A_34 : memref<8x128xf32, #tpu.memory_space<vmem>>) target(%dma_start3A_31 : memref<8x128xf32, #tpu.memory_space<vmem_shared>>) target_semaphore(%run_scoped3A : memref<!tpu.dma_semaphore, #tpu.memory_space<semaphore_mem>>)
        %dma_wait3A = arith.constant 0 : i32
        %dma_wait3A_35 = arith.constant 0 : i32
        %dma_wait3A_36 = tpu.memref_slice %arg7[%dma_wait3A, %dma_wait3A_35] : memref<64x128xf32, #tpu.memory_space<vmem>> -> memref<8x128xf32, #tpu.memory_space<vmem>>
        %dma_wait3A_37 = arith.constant 0 : i32
        %dma_wait3A_38 = tpu.memref_slice %arg9[%add3A_25, %dma_wait3A_37] : memref<10112x128xf32, #tpu.memory_space<vmem_shared>> -> memref<8x128xf32, #tpu.memory_space<vmem_shared>>
        %dma_wait3A_39 = arith.constant 0 : i32
        %dma_wait3A_40 = tpu.memref_slice %arg9[%add3A_25, %dma_wait3A_39] : memref<10112x128xf32, #tpu.memory_space<vmem_shared>> -> memref<8x128xf32, #tpu.memory_space<vmem_shared>>
        %dma_wait3A_41 = arith.constant 0 : i32
        %dma_wait3A_42 = arith.constant 0 : i32
        %dma_wait3A_43 = tpu.memref_slice %arg7[%dma_wait3A_41, %dma_wait3A_42] : memref<64x128xf32, #tpu.memory_space<vmem>> -> memref<8x128xf32, #tpu.memory_space<vmem>>
        tpu.wait_dma2 semaphore(%run_scoped3A : memref<!tpu.dma_semaphore, #tpu.memory_space<semaphore_mem>>) src(%dma_wait3A_43 : memref<8x128xf32, #tpu.memory_space<vmem>>) dst(%dma_wait3A_40 : memref<8x128xf32, #tpu.memory_space<vmem_shared>>)
        tpu.yield
      }) : () -> ()
    }
    %scan3A_14 = arith.constant 79 : i32
    %barrier3A = arith.constant 0 : index
    tpu.barrier barrier_id(%barrier3A)
    %scan3A_15 = arith.constant 0 : i32
    %scan3A_16 = arith.constant 0 : i32
    %scan3A_17 = arith.constant 2 : i32
    %scan3A_18 = arith.addi %scan3A_16, %scan3A_17 : i32
    %scan3A_19 = arith.constant 1 : i32
    scf.for %scan3A_22 = %scan3A_16 to %scan3A_18 step %scan3A_19  : i32 {
      %mul3A_23 = arith.constant 80 : i32
      %mul3A_24 = arith.muli %scan3A_22, %mul3A_23 : i32
      "tpu.region"() ({
        %run_scoped3A_64 = tpu.sem_alloc : memref<!tpu.dma_semaphore, #tpu.memory_space<semaphore_mem>>
        %dma_start3A_65 = arith.constant 0 : i32
        %dma_start3A_66 = tpu.memref_slice %arg3[%add3A, %mul3A_24, %dma_start3A_65] : memref<32x160x64xi32, #tpu.memory_space<hbm>> -> memref<1x80x64xi32, #tpu.memory_space<hbm>>
        %dma_start3A_67 = tpu.memref_squeeze %dma_start3A_66 : memref<1x80x64xi32, #tpu.memory_space<hbm>> -> memref<80x64xi32, #tpu.memory_space<hbm>>
        %dma_start3A_68 = arith.constant 0 : i32
        %dma_start3A_69 = tpu.memref_slice %arg3[%add3A, %mul3A_24, %dma_start3A_68] : memref<32x160x64xi32, #tpu.memory_space<hbm>> -> memref<1x80x64xi32, #tpu.memory_space<hbm>>
        %dma_start3A_70 = tpu.memref_squeeze %dma_start3A_69 : memref<1x80x64xi32, #tpu.memory_space<hbm>> -> memref<80x64xi32, #tpu.memory_space<hbm>>
        tpu.enqueue_dma source(%dma_start3A_70 : memref<80x64xi32, #tpu.memory_space<hbm>>) target(%arg5 : memref<80x64xi32, #tpu.memory_space<vmem>>) target_semaphore(%run_scoped3A_64 : memref<!tpu.dma_semaphore, #tpu.memory_space<semaphore_mem>>)
        %dma_wait3A_71 = arith.constant 0 : i32
        %dma_wait3A_72 = tpu.memref_slice %arg3[%add3A, %mul3A_24, %dma_wait3A_71] : memref<32x160x64xi32, #tpu.memory_space<hbm>> -> memref<1x80x64xi32, #tpu.memory_space<hbm>>
        %dma_wait3A_73 = tpu.memref_squeeze %dma_wait3A_72 : memref<1x80x64xi32, #tpu.memory_space<hbm>> -> memref<80x64xi32, #tpu.memory_space<hbm>>
        %dma_wait3A_74 = arith.constant 0 : i32
        %dma_wait3A_75 = tpu.memref_slice %arg3[%add3A, %mul3A_24, %dma_wait3A_74] : memref<32x160x64xi32, #tpu.memory_space<hbm>> -> memref<1x80x64xi32, #tpu.memory_space<hbm>>
        %dma_wait3A_76 = tpu.memref_squeeze %dma_wait3A_75 : memref<1x80x64xi32, #tpu.memory_space<hbm>> -> memref<80x64xi32, #tpu.memory_space<hbm>>
        tpu.wait_dma2 semaphore(%run_scoped3A_64 : memref<!tpu.dma_semaphore, #tpu.memory_space<semaphore_mem>>) src(%dma_wait3A_76 : memref<80x64xi32, #tpu.memory_space<hbm>>) dst(%arg5 : memref<80x64xi32, #tpu.memory_space<vmem>>)
        tpu.yield
      }) : () -> ()
      %scan3A_25 = arith.constant 0 : i32
      %scan3A_26 = arith.constant 0 : i32
      %scan3A_27 = arith.constant 80 : i32
      %scan3A_28 = arith.addi %scan3A_26, %scan3A_27 : i32
      %scan3A_29 = arith.constant 1 : i32
      scf.for %scan3A_64 = %scan3A_26 to %scan3A_28 step %scan3A_29  : i32 {
        %get3A = arith.index_cast %scan3A_64 : i32 to index
        %get3A_65 = arith.constant 0 : index
        %get3A_66 = tpu.vector_load %arg5[%get3A, %get3A_65] {strides = array<i32>} : memref<80x64xi32, #tpu.memory_space<vmem>>, vector<1x16xi32>,
        %get3A_67 = vector.shape_cast %get3A_66 : vector<1x16xi32> to vector<16xi32>
        %shift_right_logical3A = arith.constant 14 : i32
        %shift_right_logical3A_68 = vector.broadcast %shift_right_logical3A : i32 to vector<16xi32>
        %shift_right_logical3A_69 = arith.shrui %get3A_67, %shift_right_logical3A_68 : vector<16xi32>
        %swap3A = arith.index_cast %scan3A_64 : i32 to index
        %swap3A_70 = arith.constant 0 : index
        %swap3A_71 = tpu.vector_load %arg6[%swap3A, %swap3A_70] {strides = array<i32>} : memref<80x64xi32, #tpu.memory_space<vmem>>, vector<1x16xi32>,
        %swap3A_72 = vector.shape_cast %swap3A_71 : vector<1x16xi32> to vector<16xi32>
        %swap3A_73 = vector.shape_cast %shift_right_logical3A_69 : vector<16xi32> to vector<1x16xi32>
        tpu.vector_store %arg6[%swap3A, %swap3A_70], %swap3A_73 {strides = array<i32>} : memref<80x64xi32, #tpu.memory_space<vmem>>, vector<1x16xi32>,
        %and3A = arith.constant 16383 : i32
        %and3A_74 = vector.broadcast %and3A : i32 to vector<16xi32>
        %and3A_75 = arith.andi %get3A_67, %and3A_74 : vector<16xi32>
        %swap3A_76 = arith.index_cast %scan3A_64 : i32 to index
        %swap3A_77 = arith.constant 0 : index
        %swap3A_78 = tpu.vector_load %arg5[%swap3A_76, %swap3A_77] {strides = array<i32>} : memref<80x64xi32, #tpu.memory_space<vmem>>, vector<1x16xi32>,
        %swap3A_79 = vector.shape_cast %swap3A_78 : vector<1x16xi32> to vector<16xi32>
        %swap3A_80 = vector.shape_cast %and3A_75 : vector<16xi32> to vector<1x16xi32>
        tpu.vector_store %arg5[%swap3A_76, %swap3A_77], %swap3A_80 {strides = array<i32>} : memref<80x64xi32, #tpu.memory_space<vmem>>, vector<1x16xi32>,
        %get3A_81 = arith.index_cast %scan3A_64 : i32 to index
        %get3A_82 = arith.constant 16 : index
        %get3A_83 = tpu.vector_load %arg5[%get3A_81, %get3A_82] {strides = array<i32>} : memref<80x64xi32, #tpu.memory_space<vmem>>, vector<1x16xi32>,
        %get3A_84 = vector.shape_cast %get3A_83 : vector<1x16xi32> to vector<16xi32>
        %shift_right_logical3A_85 = arith.constant 14 : i32
        %shift_right_logical3A_86 = vector.broadcast %shift_right_logical3A_85 : i32 to vector<16xi32>
        %shift_right_logical3A_87 = arith.shrui %get3A_84, %shift_right_logical3A_86 : vector<16xi32>
        %swap3A_88 = arith.index_cast %scan3A_64 : i32 to index
        %swap3A_89 = arith.constant 16 : index
        %swap3A_90 = tpu.vector_load %arg6[%swap3A_88, %swap3A_89] {strides = array<i32>} : memref<80x64xi32, #tpu.memory_space<vmem>>, vector<1x16xi32>,
        %swap3A_91 = vector.shape_cast %swap3A_90 : vector<1x16xi32> to vector<16xi32>
        %swap3A_92 = vector.shape_cast %shift_right_logical3A_87 : vector<16xi32> to vector<1x16xi32>
        tpu.vector_store %arg6[%swap3A_88, %swap3A_89], %swap3A_92 {strides = array<i32>} : memref<80x64xi32, #tpu.memory_space<vmem>>, vector<1x16xi32>,
        %and3A_93 = arith.constant 16383 : i32
        %and3A_94 = vector.broadcast %and3A_93 : i32 to vector<16xi32>
        %and3A_95 = arith.andi %get3A_84, %and3A_94 : vector<16xi32>
        %swap3A_96 = arith.index_cast %scan3A_64 : i32 to index
        %swap3A_97 = arith.constant 16 : index
        %swap3A_98 = tpu.vector_load %arg5[%swap3A_96, %swap3A_97] {strides = array<i32>} : memref<80x64xi32, #tpu.memory_space<vmem>>, vector<1x16xi32>,
        %swap3A_99 = vector.shape_cast %swap3A_98 : vector<1x16xi32> to vector<16xi32>
        %swap3A_100 = vector.shape_cast %and3A_95 : vector<16xi32> to vector<1x16xi32>
        tpu.vector_store %arg5[%swap3A_96, %swap3A_97], %swap3A_100 {strides = array<i32>} : memref<80x64xi32, #tpu.memory_space<vmem>>, vector<1x16xi32>,
        %get3A_101 = arith.index_cast %scan3A_64 : i32 to index
        %get3A_102 = arith.constant 32 : index
        %get3A_103 = tpu.vector_load %arg5[%get3A_101, %get3A_102] {strides = array<i32>} : memref<80x64xi32, #tpu.memory_space<vmem>>, vector<1x16xi32>,
        %get3A_104 = vector.shape_cast %get3A_103 : vector<1x16xi32> to vector<16xi32>
        %shift_right_logical3A_105 = arith.constant 14 : i32
        %shift_right_logical3A_106 = vector.broadcast %shift_right_logical3A_105 : i32 to vector<16xi32>
        %shift_right_logical3A_107 = arith.shrui %get3A_104, %shift_right_logical3A_106 : vector<16xi32>
        %swap3A_108 = arith.index_cast %scan3A_64 : i32 to index
        %swap3A_109 = arith.constant 32 : index
        %swap3A_110 = tpu.vector_load %arg6[%swap3A_108, %swap3A_109] {strides = array<i32>} : memref<80x64xi32, #tpu.memory_space<vmem>>, vector<1x16xi32>,
        %swap3A_111 = vector.shape_cast %swap3A_110 : vector<1x16xi32> to vector<16xi32>
        %swap3A_112 = vector.shape_cast %shift_right_logical3A_107 : vector<16xi32> to vector<1x16xi32>
        tpu.vector_store %arg6[%swap3A_108, %swap3A_109], %swap3A_112 {strides = array<i32>} : memref<80x64xi32, #tpu.memory_space<vmem>>, vector<1x16xi32>,
        %and3A_113 = arith.constant 16383 : i32
        %and3A_114 = vector.broadcast %and3A_113 : i32 to vector<16xi32>
        %and3A_115 = arith.andi %get3A_104, %and3A_114 : vector<16xi32>
        %swap3A_116 = arith.index_cast %scan3A_64 : i32 to index
        %swap3A_117 = arith.constant 32 : index
        %swap3A_118 = tpu.vector_load %arg5[%swap3A_116, %swap3A_117] {strides = array<i32>} : memref<80x64xi32, #tpu.memory_space<vmem>>, vector<1x16xi32>,
        %swap3A_119 = vector.shape_cast %swap3A_118 : vector<1x16xi32> to vector<16xi32>
        %swap3A_120 = vector.shape_cast %and3A_115 : vector<16xi32> to vector<1x16xi32>
        tpu.vector_store %arg5[%swap3A_116, %swap3A_117], %swap3A_120 {strides = array<i32>} : memref<80x64xi32, #tpu.memory_space<vmem>>, vector<1x16xi32>,
        %get3A_121 = arith.index_cast %scan3A_64 : i32 to index
        %get3A_122 = arith.constant 48 : index
        %get3A_123 = tpu.vector_load %arg5[%get3A_121, %get3A_122] {strides = array<i32>} : memref<80x64xi32, #tpu.memory_space<vmem>>, vector<1x16xi32>,
        %get3A_124 = vector.shape_cast %get3A_123 : vector<1x16xi32> to vector<16xi32>
        %shift_right_logical3A_125 = arith.constant 14 : i32
        %shift_right_logical3A_126 = vector.broadcast %shift_right_logical3A_125 : i32 to vector<16xi32>
        %shift_right_logical3A_127 = arith.shrui %get3A_124, %shift_right_logical3A_126 : vector<16xi32>
        %swap3A_128 = arith.index_cast %scan3A_64 : i32 to index
        %swap3A_129 = arith.constant 48 : index
        %swap3A_130 = tpu.vector_load %arg6[%swap3A_128, %swap3A_129] {strides = array<i32>} : memref<80x64xi32, #tpu.memory_space<vmem>>, vector<1x16xi32>,
        %swap3A_131 = vector.shape_cast %swap3A_130 : vector<1x16xi32> to vector<16xi32>
        %swap3A_132 = vector.shape_cast %shift_right_logical3A_127 : vector<16xi32> to vector<1x16xi32>
        tpu.vector_store %arg6[%swap3A_128, %swap3A_129], %swap3A_132 {strides = array<i32>} : memref<80x64xi32, #tpu.memory_space<vmem>>, vector<1x16xi32>,
        %and3A_133 = arith.constant 16383 : i32
        %and3A_134 = vector.broadcast %and3A_133 : i32 to vector<16xi32>
        %and3A_135 = arith.andi %get3A_124, %and3A_134 : vector<16xi32>
        %swap3A_136 = arith.index_cast %scan3A_64 : i32 to index
        %swap3A_137 = arith.constant 48 : index
        %swap3A_138 = tpu.vector_load %arg5[%swap3A_136, %swap3A_137] {strides = array<i32>} : memref<80x64xi32, #tpu.memory_space<vmem>>, vector<1x16xi32>,
        %swap3A_139 = vector.shape_cast %swap3A_138 : vector<1x16xi32> to vector<16xi32>
        %swap3A_140 = vector.shape_cast %and3A_135 : vector<16xi32> to vector<1x16xi32>
        tpu.vector_store %arg5[%swap3A_136, %swap3A_137], %swap3A_140 {strides = array<i32>} : memref<80x64xi32, #tpu.memory_space<vmem>>, vector<1x16xi32>,
      }
      %scan3A_30 = arith.constant 80 : i32
      %dma_start3A = arith.constant 0 : i32
      %dma_start3A_31 = arith.constant 0 : i32
      %dma_start3A_32 = tpu.memref_slice %arg5[%dma_start3A, %dma_start3A_31] : memref<80x64xi32, #tpu.memory_space<vmem>> -> memref<1x64xi32, #tpu.memory_space<vmem>>
      %dma_start3A_33 = tpu.memref_squeeze %dma_start3A_32 : memref<1x64xi32, #tpu.memory_space<vmem>> -> memref<64xi32, #tpu.memory_space<vmem>>
      %dma_start3A_34 = arith.constant 0 : i32
      %dma_start3A_35 = arith.constant 0 : i32
      %dma_start3A_36 = tpu.memref_slice %arg2[%dma_start3A_34, %dma_start3A_35] : memref<10000x128xf32, #tpu.memory_space<hbm>> -> memref<10000x128xf32, #tpu.memory_space<hbm>>
      tpu.enqueue_indirect_dma source(%dma_start3A_36 : memref<10000x128xf32, #tpu.memory_space<hbm>>) target(%arg7 : memref<64x128xf32, #tpu.memory_space<vmem>>) offsets(%dma_start3A_33 : memref<64xi32, #tpu.memory_space<vmem>>) semaphore(%arg10 : memref<!tpu.dma_semaphore, #tpu.memory_space<semaphore_mem>>)
      %scan3A_37 = arith.constant 0 : i32
      %scan3A_38 = arith.constant 0 : i32
      %scan3A_39 = arith.constant 39 : i32
      %scan3A_40 = arith.addi %scan3A_38, %scan3A_39 : i32
      %scan3A_41 = arith.constant 1 : i32
      scf.for %scan3A_64 = %scan3A_38 to %scan3A_40 step %scan3A_41  : i32 {
        %mul3A_65 = arith.constant 2 : i32
        %mul3A_66 = arith.muli %scan3A_64, %mul3A_65 : i32
        %add3A_67 = arith.constant 0 : i32
        %add3A_68 = arith.addi %mul3A_66, %add3A_67 : i32
        %add3A_69 = arith.constant 2 : i32
        %add3A_70 = arith.addi %add3A_68, %add3A_69 : i32
        %sub3A = arith.constant 1 : i32
        %sub3A_71 = arith.subi %add3A_70, %sub3A : i32
        %dma_start3A_72 = arith.constant 0 : i32
        %dma_start3A_73 = tpu.memref_slice %arg5[%sub3A_71, %dma_start3A_72] : memref<80x64xi32, #tpu.memory_space<vmem>> -> memref<1x64xi32, #tpu.memory_space<vmem>>
        %dma_start3A_74 = tpu.memref_squeeze %dma_start3A_73 : memref<1x64xi32, #tpu.memory_space<vmem>> -> memref<64xi32, #tpu.memory_space<vmem>>
        %dma_start3A_75 = arith.constant 0 : i32
        %dma_start3A_76 = arith.constant 0 : i32
        %dma_start3A_77 = tpu.memref_slice %arg2[%dma_start3A_75, %dma_start3A_76] : memref<10000x128xf32, #tpu.memory_space<hbm>> -> memref<10000x128xf32, #tpu.memory_space<hbm>>
        tpu.enqueue_indirect_dma source(%dma_start3A_77 : memref<10000x128xf32, #tpu.memory_space<hbm>>) target(%arg8 : memref<64x128xf32, #tpu.memory_space<vmem>>) offsets(%dma_start3A_74 : memref<64xi32, #tpu.memory_space<vmem>>) semaphore(%arg11 : memref<!tpu.dma_semaphore, #tpu.memory_space<semaphore_mem>>)
        %dma_wait3A_78 = arith.constant 0 : i32
        %dma_wait3A_79 = tpu.memref_slice %arg5[%add3A_68, %dma_wait3A_78] : memref<80x64xi32, #tpu.memory_space<vmem>> -> memref<1x64xi32, #tpu.memory_space<vmem>>
        %dma_wait3A_80 = tpu.memref_squeeze %dma_wait3A_79 : memref<1x64xi32, #tpu.memory_space<vmem>> -> memref<64xi32, #tpu.memory_space<vmem>>
        %dma_wait3A_81 = arith.constant 0 : i32
        %dma_wait3A_82 = arith.constant 0 : i32
        %dma_wait3A_83 = tpu.memref_slice %arg2[%dma_wait3A_81, %dma_wait3A_82] : memref<10000x128xf32, #tpu.memory_space<hbm>> -> memref<10000x128xf32, #tpu.memory_space<hbm>>
        tpu.wait_indirect_dma semaphore(%arg10 : memref<!tpu.dma_semaphore, #tpu.memory_space<semaphore_mem>>) src(%dma_wait3A_83 : memref<10000x128xf32, #tpu.memory_space<hbm>>) dst(%arg7 : memref<64x128xf32, #tpu.memory_space<vmem>>)
        "tpu.region"() ({
          %run_scoped3A_104 = tpu.sem_alloc : memref<!tpu.dma_semaphore, #tpu.memory_space<semaphore_mem>>
          %dma_start3A_105 = arith.constant 0 : i32
          %dma_start3A_106 = tpu.memref_slice %arg6[%add3A_68, %dma_start3A_105] : memref<80x64xi32, #tpu.memory_space<vmem>> -> memref<1x64xi32, #tpu.memory_space<vmem>>
          %dma_start3A_107 = tpu.memref_squeeze %dma_start3A_106 : memref<1x64xi32, #tpu.memory_space<vmem>> -> memref<64xi32, #tpu.memory_space<vmem>>
          %dma_start3A_108 = arith.constant 0 : i32
          %dma_start3A_109 = arith.constant 0 : i32
          %dma_start3A_110 = tpu.memref_slice %arg9[%dma_start3A_108, %dma_start3A_109] : memref<10112x128xf32, #tpu.memory_space<vmem_shared>> -> memref<10112x128xf32, #tpu.memory_space<vmem_shared>>
          tpu.enqueue_indirect_dma source(%arg7 : memref<64x128xf32, #tpu.memory_space<vmem>>) target(%dma_start3A_110 : memref<10112x128xf32, #tpu.memory_space<vmem_shared>>) offsets(%dma_start3A_107 : memref<64xi32, #tpu.memory_space<vmem>>) semaphore(%run_scoped3A_104 : memref<!tpu.dma_semaphore, #tpu.memory_space<semaphore_mem>>) {add = true}
          %dma_wait3A_111 = arith.constant 0 : i32
          %dma_wait3A_112 = tpu.memref_slice %arg6[%add3A_68, %dma_wait3A_111] : memref<80x64xi32, #tpu.memory_space<vmem>> -> memref<1x64xi32, #tpu.memory_space<vmem>>
          %dma_wait3A_113 = tpu.memref_squeeze %dma_wait3A_112 : memref<1x64xi32, #tpu.memory_space<vmem>> -> memref<64xi32, #tpu.memory_space<vmem>>
          %dma_wait3A_114 = arith.constant 0 : i32
          %dma_wait3A_115 = arith.constant 0 : i32
          %dma_wait3A_116 = tpu.memref_slice %arg9[%dma_wait3A_114, %dma_wait3A_115] : memref<10112x128xf32, #tpu.memory_space<vmem_shared>> -> memref<10112x128xf32, #tpu.memory_space<vmem_shared>>
          tpu.wait_indirect_dma semaphore(%run_scoped3A_104 : memref<!tpu.dma_semaphore, #tpu.memory_space<semaphore_mem>>) src(%arg7 : memref<64x128xf32, #tpu.memory_space<vmem>>) dst(%dma_wait3A_116 : memref<10112x128xf32, #tpu.memory_space<vmem_shared>>)
          tpu.yield
        }) : () -> ()
        %mul3A_84 = arith.constant 2 : i32
        %mul3A_85 = arith.muli %scan3A_64, %mul3A_84 : i32
        %add3A_86 = arith.constant 1 : i32
        %add3A_87 = arith.addi %mul3A_85, %add3A_86 : i32
        %add3A_88 = arith.constant 2 : i32
        %add3A_89 = arith.addi %add3A_87, %add3A_88 : i32
        %sub3A_90 = arith.constant 1 : i32
        %sub3A_91 = arith.subi %add3A_89, %sub3A_90 : i32
        %dma_start3A_92 = arith.constant 0 : i32
        %dma_start3A_93 = tpu.memref_slice %arg5[%sub3A_91, %dma_start3A_92] : memref<80x64xi32, #tpu.memory_space<vmem>> -> memref<1x64xi32, #tpu.memory_space<vmem>>
        %dma_start3A_94 = tpu.memref_squeeze %dma_start3A_93 : memref<1x64xi32, #tpu.memory_space<vmem>> -> memref<64xi32, #tpu.memory_space<vmem>>
        %dma_start3A_95 = arith.constant 0 : i32
        %dma_start3A_96 = arith.constant 0 : i32
        %dma_start3A_97 = tpu.memref_slice %arg2[%dma_start3A_95, %dma_start3A_96] : memref<10000x128xf32, #tpu.memory_space<hbm>> -> memref<10000x128xf32, #tpu.memory_space<hbm>>
        tpu.enqueue_indirect_dma source(%dma_start3A_97 : memref<10000x128xf32, #tpu.memory_space<hbm>>) target(%arg7 : memref<64x128xf32, #tpu.memory_space<vmem>>) offsets(%dma_start3A_94 : memref<64xi32, #tpu.memory_space<vmem>>) semaphore(%arg10 : memref<!tpu.dma_semaphore, #tpu.memory_space<semaphore_mem>>)
        %dma_wait3A_98 = arith.constant 0 : i32
        %dma_wait3A_99 = tpu.memref_slice %arg5[%add3A_87, %dma_wait3A_98] : memref<80x64xi32, #tpu.memory_space<vmem>> -> memref<1x64xi32, #tpu.memory_space<vmem>>
        %dma_wait3A_100 = tpu.memref_squeeze %dma_wait3A_99 : memref<1x64xi32, #tpu.memory_space<vmem>> -> memref<64xi32, #tpu.memory_space<vmem>>
        %dma_wait3A_101 = arith.constant 0 : i32
        %dma_wait3A_102 = arith.constant 0 : i32
        %dma_wait3A_103 = tpu.memref_slice %arg2[%dma_wait3A_101, %dma_wait3A_102] : memref<10000x128xf32, #tpu.memory_space<hbm>> -> memref<10000x128xf32, #tpu.memory_space<hbm>>
        tpu.wait_indirect_dma semaphore(%arg11 : memref<!tpu.dma_semaphore, #tpu.memory_space<semaphore_mem>>) src(%dma_wait3A_103 : memref<10000x128xf32, #tpu.memory_space<hbm>>) dst(%arg8 : memref<64x128xf32, #tpu.memory_space<vmem>>)
        "tpu.region"() ({
          %run_scoped3A_104 = tpu.sem_alloc : memref<!tpu.dma_semaphore, #tpu.memory_space<semaphore_mem>>
          %dma_start3A_105 = arith.constant 0 : i32
          %dma_start3A_106 = tpu.memref_slice %arg6[%add3A_87, %dma_start3A_105] : memref<80x64xi32, #tpu.memory_space<vmem>> -> memref<1x64xi32, #tpu.memory_space<vmem>>
          %dma_start3A_107 = tpu.memref_squeeze %dma_start3A_106 : memref<1x64xi32, #tpu.memory_space<vmem>> -> memref<64xi32, #tpu.memory_space<vmem>>
          %dma_start3A_108 = arith.constant 0 : i32
          %dma_start3A_109 = arith.constant 0 : i32
          %dma_start3A_110 = tpu.memref_slice %arg9[%dma_start3A_108, %dma_start3A_109] : memref<10112x128xf32, #tpu.memory_space<vmem_shared>> -> memref<10112x128xf32, #tpu.memory_space<vmem_shared>>
          tpu.enqueue_indirect_dma source(%arg8 : memref<64x128xf32, #tpu.memory_space<vmem>>) target(%dma_start3A_110 : memref<10112x128xf32, #tpu.memory_space<vmem_shared>>) offsets(%dma_start3A_107 : memref<64xi32, #tpu.memory_space<vmem>>) semaphore(%run_scoped3A_104 : memref<!tpu.dma_semaphore, #tpu.memory_space<semaphore_mem>>) {add = true}
          %dma_wait3A_111 = arith.constant 0 : i32
          %dma_wait3A_112 = tpu.memref_slice %arg6[%add3A_87, %dma_wait3A_111] : memref<80x64xi32, #tpu.memory_space<vmem>> -> memref<1x64xi32, #tpu.memory_space<vmem>>
          %dma_wait3A_113 = tpu.memref_squeeze %dma_wait3A_112 : memref<1x64xi32, #tpu.memory_space<vmem>> -> memref<64xi32, #tpu.memory_space<vmem>>
          %dma_wait3A_114 = arith.constant 0 : i32
          %dma_wait3A_115 = arith.constant 0 : i32
          %dma_wait3A_116 = tpu.memref_slice %arg9[%dma_wait3A_114, %dma_wait3A_115] : memref<10112x128xf32, #tpu.memory_space<vmem_shared>> -> memref<10112x128xf32, #tpu.memory_space<vmem_shared>>
          tpu.wait_indirect_dma semaphore(%run_scoped3A_104 : memref<!tpu.dma_semaphore, #tpu.memory_space<semaphore_mem>>) src(%arg8 : memref<64x128xf32, #tpu.memory_space<vmem>>) dst(%dma_wait3A_116 : memref<10112x128xf32, #tpu.memory_space<vmem_shared>>)
          tpu.yield
        }) : () -> ()
      }
      %scan3A_42 = arith.constant 39 : i32
      %dma_start3A_43 = arith.constant 79 : i32
      %dma_start3A_44 = arith.constant 0 : i32
      %dma_start3A_45 = tpu.memref_slice %arg5[%dma_start3A_43, %dma_start3A_44] : memref<80x64xi32, #tpu.memory_space<vmem>> -> memref<1x64xi32, #tpu.memory_space<vmem>>
      %dma_start3A_46 = tpu.memref_squeeze %dma_start3A_45 : memref<1x64xi32, #tpu.memory_space<vmem>> -> memref<64xi32, #tpu.memory_space<vmem>>
      %dma_start3A_47 = arith.constant 0 : i32
      %dma_start3A_48 = arith.constant 0 : i32
      %dma_start3A_49 = tpu.memref_slice %arg2[%dma_start3A_47, %dma_start3A_48] : memref<10000x128xf32, #tpu.memory_space<hbm>> -> memref<10000x128xf32, #tpu.memory_space<hbm>>
      tpu.enqueue_indirect_dma source(%dma_start3A_49 : memref<10000x128xf32, #tpu.memory_space<hbm>>) target(%arg8 : memref<64x128xf32, #tpu.memory_space<vmem>>) offsets(%dma_start3A_46 : memref<64xi32, #tpu.memory_space<vmem>>) semaphore(%arg11 : memref<!tpu.dma_semaphore, #tpu.memory_space<semaphore_mem>>)
      %dma_wait3A = arith.constant 78 : i32
      %dma_wait3A_50 = arith.constant 0 : i32
      %dma_wait3A_51 = tpu.memref_slice %arg5[%dma_wait3A, %dma_wait3A_50] : memref<80x64xi32, #tpu.memory_space<vmem>> -> memref<1x64xi32, #tpu.memory_space<vmem>>
      %dma_wait3A_52 = tpu.memref_squeeze %dma_wait3A_51 : memref<1x64xi32, #tpu.memory_space<vmem>> -> memref<64xi32, #tpu.memory_space<vmem>>
      %dma_wait3A_53 = arith.constant 0 : i32
      %dma_wait3A_54 = arith.constant 0 : i32
      %dma_wait3A_55 = tpu.memref_slice %arg2[%dma_wait3A_53, %dma_wait3A_54] : memref<10000x128xf32, #tpu.memory_space<hbm>> -> memref<10000x128xf32, #tpu.memory_space<hbm>>
      tpu.wait_indirect_dma semaphore(%arg10 : memref<!tpu.dma_semaphore, #tpu.memory_space<semaphore_mem>>) src(%dma_wait3A_55 : memref<10000x128xf32, #tpu.memory_space<hbm>>) dst(%arg7 : memref<64x128xf32, #tpu.memory_space<vmem>>)
      %run_scoped3A = arith.constant 78 : i32
      "tpu.region"() ({
        %run_scoped3A_64 = tpu.sem_alloc : memref<!tpu.dma_semaphore, #tpu.memory_space<semaphore_mem>>
        %dma_start3A_65 = arith.constant 0 : i32
        %dma_start3A_66 = tpu.memref_slice %arg6[%run_scoped3A, %dma_start3A_65] : memref<80x64xi32, #tpu.memory_space<vmem>> -> memref<1x64xi32, #tpu.memory_space<vmem>>
        %dma_start3A_67 = tpu.memref_squeeze %dma_start3A_66 : memref<1x64xi32, #tpu.memory_space<vmem>> -> memref<64xi32, #tpu.memory_space<vmem>>
        %dma_start3A_68 = arith.constant 0 : i32
        %dma_start3A_69 = arith.constant 0 : i32
        %dma_start3A_70 = tpu.memref_slice %arg9[%dma_start3A_68, %dma_start3A_69] : memref<10112x128xf32, #tpu.memory_space<vmem_shared>> -> memref<10112x128xf32, #tpu.memory_space<vmem_shared>>
        tpu.enqueue_indirect_dma source(%arg7 : memref<64x128xf32, #tpu.memory_space<vmem>>) target(%dma_start3A_70 : memref<10112x128xf32, #tpu.memory_space<vmem_shared>>) offsets(%dma_start3A_67 : memref<64xi32, #tpu.memory_space<vmem>>) semaphore(%run_scoped3A_64 : memref<!tpu.dma_semaphore, #tpu.memory_space<semaphore_mem>>) {add = true}
        %dma_wait3A_71 = arith.constant 0 : i32
        %dma_wait3A_72 = tpu.memref_slice %arg6[%run_scoped3A, %dma_wait3A_71] : memref<80x64xi32, #tpu.memory_space<vmem>> -> memref<1x64xi32, #tpu.memory_space<vmem>>
        %dma_wait3A_73 = tpu.memref_squeeze %dma_wait3A_72 : memref<1x64xi32, #tpu.memory_space<vmem>> -> memref<64xi32, #tpu.memory_space<vmem>>
        %dma_wait3A_74 = arith.constant 0 : i32
        %dma_wait3A_75 = arith.constant 0 : i32
        %dma_wait3A_76 = tpu.memref_slice %arg9[%dma_wait3A_74, %dma_wait3A_75] : memref<10112x128xf32, #tpu.memory_space<vmem_shared>> -> memref<10112x128xf32, #tpu.memory_space<vmem_shared>>
        tpu.wait_indirect_dma semaphore(%run_scoped3A_64 : memref<!tpu.dma_semaphore, #tpu.memory_space<semaphore_mem>>) src(%arg7 : memref<64x128xf32, #tpu.memory_space<vmem>>) dst(%dma_wait3A_76 : memref<10112x128xf32, #tpu.memory_space<vmem_shared>>)
        tpu.yield
      }) : () -> ()
      %dma_wait3A_56 = arith.constant 79 : i32
      %dma_wait3A_57 = arith.constant 0 : i32
      %dma_wait3A_58 = tpu.memref_slice %arg5[%dma_wait3A_56, %dma_wait3A_57] : memref<80x64xi32, #tpu.memory_space<vmem>> -> memref<1x64xi32, #tpu.memory_space<vmem>>
      %dma_wait3A_59 = tpu.memref_squeeze %dma_wait3A_58 : memref<1x64xi32, #tpu.memory_space<vmem>> -> memref<64xi32, #tpu.memory_space<vmem>>
      %dma_wait3A_60 = arith.constant 0 : i32
      %dma_wait3A_61 = arith.constant 0 : i32
      %dma_wait3A_62 = tpu.memref_slice %arg2[%dma_wait3A_60, %dma_wait3A_61] : memref<10000x128xf32, #tpu.memory_space<hbm>> -> memref<10000x128xf32, #tpu.memory_space<hbm>>
      tpu.wait_indirect_dma semaphore(%arg11 : memref<!tpu.dma_semaphore, #tpu.memory_space<semaphore_mem>>) src(%dma_wait3A_62 : memref<10000x128xf32, #tpu.memory_space<hbm>>) dst(%arg8 : memref<64x128xf32, #tpu.memory_space<vmem>>)
      %run_scoped3A_63 = arith.constant 79 : i32
      "tpu.region"() ({
        %run_scoped3A_64 = tpu.sem_alloc : memref<!tpu.dma_semaphore, #tpu.memory_space<semaphore_mem>>
        %dma_start3A_65 = arith.constant 0 : i32
        %dma_start3A_66 = tpu.memref_slice %arg6[%run_scoped3A_63, %dma_start3A_65] : memref<80x64xi32, #tpu.memory_space<vmem>> -> memref<1x64xi32, #tpu.memory_space<vmem>>
        %dma_start3A_67 = tpu.memref_squeeze %dma_start3A_66 : memref<1x64xi32, #tpu.memory_space<vmem>> -> memref<64xi32, #tpu.memory_space<vmem>>
        %dma_start3A_68 = arith.constant 0 : i32
        %dma_start3A_69 = arith.constant 0 : i32
        %dma_start3A_70 = tpu.memref_slice %arg9[%dma_start3A_68, %dma_start3A_69] : memref<10112x128xf32, #tpu.memory_space<vmem_shared>> -> memref<10112x128xf32, #tpu.memory_space<vmem_shared>>
        tpu.enqueue_indirect_dma source(%arg8 : memref<64x128xf32, #tpu.memory_space<vmem>>) target(%dma_start3A_70 : memref<10112x128xf32, #tpu.memory_space<vmem_shared>>) offsets(%dma_start3A_67 : memref<64xi32, #tpu.memory_space<vmem>>) semaphore(%run_scoped3A_64 : memref<!tpu.dma_semaphore, #tpu.memory_space<semaphore_mem>>) {add = true}
        %dma_wait3A_71 = arith.constant 0 : i32
        %dma_wait3A_72 = tpu.memref_slice %arg6[%run_scoped3A_63, %dma_wait3A_71] : memref<80x64xi32, #tpu.memory_space<vmem>> -> memref<1x64xi32, #tpu.memory_space<vmem>>
        %dma_wait3A_73 = tpu.memref_squeeze %dma_wait3A_72 : memref<1x64xi32, #tpu.memory_space<vmem>> -> memref<64xi32, #tpu.memory_space<vmem>>
        %dma_wait3A_74 = arith.constant 0 : i32
        %dma_wait3A_75 = arith.constant 0 : i32
        %dma_wait3A_76 = tpu.memref_slice %arg9[%dma_wait3A_74, %dma_wait3A_75] : memref<10112x128xf32, #tpu.memory_space<vmem_shared>> -> memref<10112x128xf32, #tpu.memory_space<vmem_shared>>
        tpu.wait_indirect_dma semaphore(%run_scoped3A_64 : memref<!tpu.dma_semaphore, #tpu.memory_space<semaphore_mem>>) src(%arg8 : memref<64x128xf32, #tpu.memory_space<vmem>>) dst(%dma_wait3A_76 : memref<10112x128xf32, #tpu.memory_space<vmem_shared>>)
        tpu.yield
      }) : () -> ()
    }
    %scan3A_20 = arith.constant 2 : i32
    %barrier3A_21 = arith.constant 0 : index
    tpu.barrier barrier_id(%barrier3A_21)
    "tpu.region"() ({
      %run_scoped3A = tpu.sem_alloc : memref<!tpu.dma_semaphore, #tpu.memory_space<semaphore_mem>>
      %dma_start3A = arith.constant 0 : i32
      %dma_start3A_22 = tpu.memref_slice %arg4[%arg0, %mul3A_8, %dma_start3A] : memref<2x10112x128xf32, #tpu.memory_space<hbm>> -> memref<1x632x128xf32, #tpu.memory_space<hbm>>
      %dma_start3A_23 = tpu.memref_squeeze %dma_start3A_22 : memref<1x632x128xf32, #tpu.memory_space<hbm>> -> memref<632x128xf32, #tpu.memory_space<hbm>>
      %dma_start3A_24 = arith.constant 0 : i32
      %dma_start3A_25 = tpu.memref_slice %arg9[%mul3A_8, %dma_start3A_24] : memref<10112x128xf32, #tpu.memory_space<vmem_shared>> -> memref<632x128xf32, #tpu.memory_space<vmem_shared>>
      tpu.enqueue_dma source(%dma_start3A_25 : memref<632x128xf32, #tpu.memory_space<vmem_shared>>) target(%dma_start3A_23 : memref<632x128xf32, #tpu.memory_space<hbm>>) target_semaphore(%run_scoped3A : memref<!tpu.dma_semaphore, #tpu.memory_space<semaphore_mem>>)
      %dma_wait3A = arith.constant 0 : i32
      %dma_wait3A_26 = tpu.memref_slice %arg4[%arg0, %mul3A_8, %dma_wait3A] : memref<2x10112x128xf32, #tpu.memory_space<hbm>> -> memref<1x632x128xf32, #tpu.memory_space<hbm>>
      %dma_wait3A_27 = tpu.memref_squeeze %dma_wait3A_26 : memref<1x632x128xf32, #tpu.memory_space<hbm>> -> memref<632x128xf32, #tpu.memory_space<hbm>>
      %dma_wait3A_28 = arith.constant 0 : i32
      %dma_wait3A_29 = tpu.memref_slice %arg9[%mul3A_8, %dma_wait3A_28] : memref<10112x128xf32, #tpu.memory_space<vmem_shared>> -> memref<632x128xf32, #tpu.memory_space<vmem_shared>>
      tpu.wait_dma2 semaphore(%run_scoped3A : memref<!tpu.dma_semaphore, #tpu.memory_space<semaphore_mem>>) src(%dma_wait3A_29 : memref<632x128xf32, #tpu.memory_space<vmem_shared>>) dst(%dma_wait3A_27 : memref<632x128xf32, #tpu.memory_space<hbm>>)
      tpu.yield
    }) : () -> ()
    return
  }
}

module attributes {stable_mosaic.version = 14 : i64} {
  func.func @_scale_body(%arg0: i32, %arg1: memref<2x1000x128xf32, #tpu.memory_space<vmem>>, %arg2: memref<1000x128xf32, #tpu.memory_space<vmem>>, %arg3: memref<1000x128xf32, #tpu.memory_space<vmem>>, %arg4: memref<1000x1xf32, #tpu.memory_space<vmem>>) attributes {dimension_semantics = [#tpu.dimension_semantics<arbitrary>], iteration_bounds = array<i64: 10>, scalar_prefetch = 0 : i64, scratch_operands = 0 : i64, tpu.core_type = #tpu.core_type<tc>, window_params = [{transform_indices = @transform_0, window_bounds = array<i64: 2, 1000, 128>}, {transform_indices = @transform_1, window_bounds = array<i64: 1000, 128>}, {transform_indices = @transform_2, window_bounds = array<i64: 1000, 128>}, {transform_indices = @transform_3, window_bounds = array<i64: 1000, 1>}]} {
    %get3A = arith.constant 0 : index
    %get3A_0 = arith.constant 0 : index
    %get3A_1 = arith.constant 0 : index
    %get3A_2 = vector.load %arg1[%get3A, %get3A_0, %get3A_1] : memref<2x1000x128xf32, #tpu.memory_space<vmem>>, vector<1x1000x128xf32>
    %get3A_3 = vector.shape_cast %get3A_2 : vector<1x1000x128xf32> to vector<1000x128xf32>
    %slice3A = vector.extract_strided_slice %get3A_3 {offsets = [0, 0], sizes = [1000, 1], strides = [1, 1]} : vector<1000x128xf32> to vector<1000x1xf32>
    %get3A_4 = arith.constant 1 : index
    %get3A_5 = arith.constant 0 : index
    %get3A_6 = arith.constant 0 : index
    %get3A_7 = vector.load %arg1[%get3A_4, %get3A_5, %get3A_6] : memref<2x1000x128xf32, #tpu.memory_space<vmem>>, vector<1x1000x128xf32>
    %get3A_8 = vector.shape_cast %get3A_7 : vector<1x1000x128xf32> to vector<1000x128xf32>
    %slice3A_9 = vector.extract_strided_slice %get3A_8 {offsets = [0, 0], sizes = [1000, 1], strides = [1, 1]} : vector<1000x128xf32> to vector<1000x1xf32>
    %add3A = arith.addf %slice3A, %slice3A_9 : vector<1000x1xf32>
    %gt3A = arith.constant 0.000000e+00 : f32
    %gt3A_10 = vector.broadcast %gt3A : f32 to vector<1000x1xf32>
    %gt3A_11 = arith.cmpf ogt, %add3A, %gt3A_10 : vector<1000x1xf32>
    %gt3A_12 = arith.constant 0.000000e+00 : f32
    %gt3A_13 = vector.broadcast %gt3A_12 : f32 to vector<1000x1xf32>
    %gt3A_14 = arith.cmpf ogt, %add3A, %gt3A_13 : vector<1000x1xf32>
    %jit3A = arith.constant 1.000000e+00 : f32
    %broadcast_in_dim3A = vector.broadcast %jit3A : f32 to vector<1000x1xf32>
    %select_n3A = arith.select %gt3A_14, %add3A, %broadcast_in_dim3A : vector<1000x1xi1>, vector<1000x1xf32>
    %rsqrt3A = math.rsqrt %select_n3A : vector<1000x1xf32>
    %jit3A_15 = arith.constant 0.000000e+00 : f32
    %broadcast_in_dim3A_16 = vector.broadcast %jit3A_15 : f32 to vector<1000x1xf32>
    %select_n3A_17 = arith.select %gt3A_11, %rsqrt3A, %broadcast_in_dim3A_16 : vector<1000x1xi1>, vector<1000x1xf32>
    %get3A_18 = arith.constant 0 : index
    %get3A_19 = arith.constant 0 : index
    %get3A_20 = vector.load %arg2[%get3A_18, %get3A_19] : memref<1000x128xf32, #tpu.memory_space<vmem>>, vector<1000x128xf32>
    %mul3A = vector.broadcast %select_n3A_17 : vector<1000x1xf32> to vector<1000x128xf32>
    %mul3A_21 = arith.mulf %get3A_20, %mul3A : vector<1000x128xf32>
    %swap3A = arith.constant 0 : index
    %swap3A_22 = arith.constant 0 : index
    %swap3A_23 = vector.load %arg3[%swap3A, %swap3A_22] : memref<1000x128xf32, #tpu.memory_space<vmem>>, vector<1000x128xf32>
    tpu.vector_store %arg3[%swap3A, %swap3A_22], %mul3A_21 {strides = array<i32>} : memref<1000x128xf32, #tpu.memory_space<vmem>>, vector<1000x128xf32>,
    %swap3A_24 = arith.constant 0 : index
    %swap3A_25 = arith.constant 0 : index
    %swap3A_26 = vector.load %arg4[%swap3A_24, %swap3A_25] : memref<1000x1xf32, #tpu.memory_space<vmem>>, vector<1000x1xf32>
    tpu.vector_store %arg4[%swap3A_24, %swap3A_25], %select_n3A_17 {strides = array<i32>} : memref<1000x1xf32, #tpu.memory_space<vmem>>, vector<1000x1xf32>,
    return
  }
  func.func @transform_0(%arg0: i32) -> (i32, i32, i32) {
    %c0_i32 = arith.constant 0 : i32
    %c0_i32_0 = arith.constant 0 : i32
    %c0_i32_1 = arith.constant 0 : i32
    return %c0_i32, %arg0, %c0_i32_0 : i32, i32, i32
  }
  func.func @transform_1(%arg0: i32) -> (i32, i32) {
    %c0_i32 = arith.constant 0 : i32
    %c0_i32_0 = arith.constant 0 : i32
    return %arg0, %c0_i32 : i32, i32
  }
  func.func @transform_2(%arg0: i32) -> (i32, i32) {
    %c0_i32 = arith.constant 0 : i32
    %c0_i32_0 = arith.constant 0 : i32
    return %arg0, %c0_i32 : i32, i32
  }
  func.func @transform_3(%arg0: i32) -> (i32, i32) {
    %c0_i32 = arith.constant 0 : i32
    %c0_i32_0 = arith.constant 0 : i32
    return %arg0, %c0_i32 : i32, i32
  }
}

module attributes {stable_mosaic.version = 14 : i64} {
  func.func @_finish_body(%arg0: i32, %arg1: memref<2x1000x128xf32, #tpu.memory_space<vmem>>, %arg2: memref<1000x1xf32, #tpu.memory_space<vmem>>, %arg3: memref<128x128xf32, #tpu.memory_space<vmem>>, %arg4: memref<128xf32, #tpu.memory_space<vmem>>, %arg5: memref<1000x128xf32, #tpu.memory_space<vmem>>) attributes {dimension_semantics = [#tpu.dimension_semantics<arbitrary>], iteration_bounds = array<i64: 10>, scalar_prefetch = 0 : i64, scratch_operands = 0 : i64, tpu.core_type = #tpu.core_type<tc>, window_params = [{transform_indices = @transform_0, window_bounds = array<i64: 2, 1000, 128>}, {transform_indices = @transform_1, window_bounds = array<i64: 1000, 1>}, {pipeline_mode = #tpu.pipeline_mode<synchronous>, transform_indices = @transform_2, window_bounds = array<i64: 128, 128>}, {pipeline_mode = #tpu.pipeline_mode<synchronous>, transform_indices = @transform_3, window_bounds = array<i64: 128>}, {transform_indices = @transform_4, window_bounds = array<i64: 1000, 128>}]} {
    %get3A = arith.constant 0 : index
    %get3A_0 = arith.constant 0 : index
    %get3A_1 = arith.constant 0 : index
    %get3A_2 = vector.load %arg1[%get3A, %get3A_0, %get3A_1] : memref<2x1000x128xf32, #tpu.memory_space<vmem>>, vector<1x1000x128xf32>
    %get3A_3 = vector.shape_cast %get3A_2 : vector<1x1000x128xf32> to vector<1000x128xf32>
    %get3A_4 = arith.constant 1 : index
    %get3A_5 = arith.constant 0 : index
    %get3A_6 = arith.constant 0 : index
    %get3A_7 = vector.load %arg1[%get3A_4, %get3A_5, %get3A_6] : memref<2x1000x128xf32, #tpu.memory_space<vmem>>, vector<1x1000x128xf32>
    %get3A_8 = vector.shape_cast %get3A_7 : vector<1x1000x128xf32> to vector<1000x128xf32>
    %add3A = arith.addf %get3A_3, %get3A_8 : vector<1000x128xf32>
    %get3A_9 = arith.constant 0 : index
    %get3A_10 = arith.constant 0 : index
    %get3A_11 = vector.load %arg3[%get3A_9, %get3A_10] : memref<128x128xf32, #tpu.memory_space<vmem>>, vector<128x128xf32>
    %dot_general3A = arith.constant dense<0.000000e+00> : vector<1000x128xf32>
    %dot_general3A_12 = tpu.matmul %add3A, %get3A_11, %dot_general3A {dimension_numbers = #tpu.dot_dimension_numbers<[1], [0], [0], [1], [0, 0, 1, 1], [], []>, precision = #tpu.contract_precision<fp32>, transpose_lhs_hint = false} : vector<1000x128xf32>, vector<128x128xf32>, vector<1000x128xf32> -> vector<1000x128xf32>
    %get3A_13 = arith.constant 0 : index
    %get3A_14 = arith.constant 0 : index
    %get3A_15 = vector.load %arg2[%get3A_13, %get3A_14] : memref<1000x1xf32, #tpu.memory_space<vmem>>, vector<1000x1xf32>
    %mul3A = vector.broadcast %get3A_15 : vector<1000x1xf32> to vector<1000x128xf32>
    %mul3A_16 = arith.mulf %mul3A, %dot_general3A_12 : vector<1000x128xf32>
    %get3A_17 = arith.constant 0 : index
    %get3A_18 = vector.load %arg4[%get3A_17] : memref<128xf32, #tpu.memory_space<vmem>>, vector<128xf32>
    %broadcast_in_dim3A = vector.shape_cast %get3A_18 : vector<128xf32> to vector<1x128xf32>
    %add3A_19 = vector.broadcast %broadcast_in_dim3A : vector<1x128xf32> to vector<1000x128xf32>
    %add3A_20 = arith.addf %mul3A_16, %add3A_19 : vector<1000x128xf32>
    %swap3A = arith.constant 0 : index
    %swap3A_21 = arith.constant 0 : index
    %swap3A_22 = vector.load %arg5[%swap3A, %swap3A_21] : memref<1000x128xf32, #tpu.memory_space<vmem>>, vector<1000x128xf32>
    tpu.vector_store %arg5[%swap3A, %swap3A_21], %add3A_20 {strides = array<i32>} : memref<1000x128xf32, #tpu.memory_space<vmem>>, vector<1000x128xf32>,
    return
  }
  func.func @transform_0(%arg0: i32) -> (i32, i32, i32) {
    %c0_i32 = arith.constant 0 : i32
    %c0_i32_0 = arith.constant 0 : i32
    %c0_i32_1 = arith.constant 0 : i32
    return %c0_i32, %arg0, %c0_i32_0 : i32, i32, i32
  }
  func.func @transform_1(%arg0: i32) -> (i32, i32) {
    %c0_i32 = arith.constant 0 : i32
    %c0_i32_0 = arith.constant 0 : i32
    return %arg0, %c0_i32 : i32, i32
  }
  func.func @transform_2(%arg0: i32) -> (i32, i32) {
    %c0_i32 = arith.constant 0 : i32
    %c0_i32_0 = arith.constant 0 : i32
    %c0_i32_1 = arith.constant 0 : i32
    return %c0_i32, %c0_i32_0 : i32, i32
  }
  func.func @transform_3(%arg0: i32) -> i32 {
    %c0_i32 = arith.constant 0 : i32
    %c0_i32_0 = arith.constant 0 : i32
    return %c0_i32 : i32
  }
  func.func @transform_4(%arg0: i32) -> (i32, i32) {
    %c0_i32 = arith.constant 0 : i32
    %c0_i32_0 = arith.constant 0 : i32
    return %arg0, %c0_i32 : i32, i32
  }
}

</mosaic_0001>

<sc_bundles>
// kernel: kernel.6.cloned.1.call-start
scs
__scs_entry_jumppad:
0x0: {  	(pc) =	sbr.rel $0x88, $3  }
0x1: {  	(tag) =	ssettag $0x0;
	lr =	simm.s32 $0x1  }
0x2: {  	[smem:$0x3F9D] =	sst lr;
	_ =	strace $0xD0000000  }
0x3: {  	_ = 	snop  }
0x4: {  	_ = 	snop  }
0x5: {  	_ = 	snop  }
0x6: {  	_ = 	snop  }
0x7: {  	_ = 	snop  }
__scs_overlays_trampoline_lowered:
0x8: {  	[smem:$0x3FAC] =	sst s0  }
0x9: {  	[smem:$0x3FAD] =	sst s1  }
0xa: {  	[smem:$0x3FAE] =	sst s2  }
0xb: {  	[smem:$0x3FAF] =	sst s3  }
0xc: {  	[smem:$0x3FB0] =	sst s4  }
0xd: {  	[smem:$0x3FB1] =	sst s5  }
0xe: {  	[smem:$0x3FB2] =	sst s6  }
0xf: {  	[smem:$0x3FB3] =	sst s7  }
0x10: {  	[smem:$0x3FB4] =	sst s8  }
0x11: {  	[smem:$0x3FB5] =	sst s9;
	s0 =	simm.s32 @!p0 $0x0  }
0x12: {  	s1 =	sld [smem:$0x3F9B];
	s0 =	simm.s32 @p0 $0x1  }
0x13: {  	[smem:$0x3FB6] =	sst s0;
	s0 =	simm.s32 @!p1 $0x0  }
0x14: {  	s2 =	sld [smem:$0x3F9A];
	s0 =	simm.s32 @p1 $0x1  }
0x15: {  	[smem:$0x3FB7] =	sst s0;
	s0 =	simm.s32 @!p2 $0x0  }
0x16: {  	s3 =	sld [smem:$0x3FDB];
	s0 =	simm.s32 @p2 $0x1  }
0x17: {  	s4 =	simm.s32 $0x1BF5;
	[smem:$0x3FB9] =	sst s0  }
0x18: {  	s0 =	sld [smem:$0x3F9C];
	_ =	swait.ge [sflag:s4], $0x0  }
0x19: {  	s7 =	sld [smem:$0x3F9D]  }
0x1a: {  	s8 =	sadd.s32 $0xFFFFE003, lr  }
0x1b: {  	s9 =	sadd.s32 $0xFFFFFEF7, lr;
	s5 =	simm.s32 $0xFFFFFFFF;
	p2 =	slt.u32 s8, $0xFFFFF086  }
0x1c: {  	p1 =	slt.u32 s9, $0xF7A;
	s5 =	simm.s32 @!p2 $0x0  }
0x1d: {  	s5 =	simm.s32 @p1 $0x1;
	p0 =	seq.s32 s7, s2  }
0x1e: {  	s7 =	smul.u32 @!p0 $0xF7A, s2;
	p2 =	seq.s32 @!p0 s5, $0x0  }
0x1f: {  	s9 =	smul.u32 $0xF7A, s1;
	s8 =	simm.s32 @!p0 $0x1BF5;
	p2 =	por !p2, p0  }
0x20: {  	[sflag:s8] =	ssyncset.s32 @!p0 $0xFFFFF086;
	s6 =	sadd.s32 @!p0 s3, s7;
	s7 =	simm.s32 @!p0 $0x108  }
0x21: {  	s3 =	sadd.s32 s3, s9;
	s6 =	sadd.s32 @!p0 $0x88, s6;
	s7 =	simm.s32 @p2 $0x1082  }
0x22: {  	[simem:s7], [sflag:s8] =	dma.local @!p0 [hbm:s6], $0xF7A  }
0x23: {  	s9 =	sor.u32 $0xD0000000, s2;
	s6 =	simm.s32 $0x108;
	_ =	swait.ge @!p0 [sflag:s8], $0x0  }
0x24: {  	s3 =	sadd.s32 $0x88, s3;
	s6 =	simm.s32 @!p1 $0x1082;
	[sflag:s4] =	ssyncset.s32 $0xFFFFF086  }
0x25: {  	[simem:s6], [sflag:s4] =	dma.local [hbm:s3], $0xF7A  }
0x26: {  	[smem:$0x3F9D] =	sst s1;
	(tag) =	ssettag s2;
	_ =	strace s9  }
0x27: {  	s1 =	sld [smem:$0x3FAD]  }
0x28: {  	s2 =	sld [smem:$0x3FAE]  }
0x29: {  	s4 =	sld [smem:$0x3FB0]  }
0x2a: {  	p0 =	seq.s32 s5, $0x0;
	s5 =	sld [smem:$0x3FB1]  }
0x2b: {  	s6 =	sld [smem:$0x3FB2]  }
0x2c: {  	s7 =	sld [smem:$0x3FB3]  }
0x2d: {  	s3 =	simm.s32 $0x108;
	s8 =	sld [smem:$0x3FB4]  }
0x2e: {  	s3 =	simm.s32 @!p0 $0x1082;
	s9 =	sld [smem:$0x3FB5]  }
0x2f: {  	lr =	sadd.s32 s0, s3;
	s0 =	sld [smem:$0x3FAC]  }
0x30: {  	s3 =	sld [smem:$0x3FAF]  }
0x31: {  	[smem:$0x3FB8] =	sst s10  }
0x32: {  	s10 =	sld [smem:$0x3FB6];
	_ =	sdelay $0x3  }
0x33: {  	p0 =	seq.s32 s10, $0x1;
	s10 =	sld [smem:$0x3FB8];
	_ =	sdelay $0x3  }
0x34: {  	[smem:$0x3FB8] =	sst s10  }
0x35: {  	s10 =	sld [smem:$0x3FB7];
	_ =	sdelay $0x3  }
0x36: {  	p1 =	seq.s32 s10, $0x1;
	s10 =	sld [smem:$0x3FB8];
	_ =	sdelay $0x3  }
0x37: {  	[smem:$0x3FB8] =	sst s10  }
0x38: {  	s10 =	sld [smem:$0x3FB9]  }
0x39: {  	_ = 	snop;
	(pc) =	sbr.ind lr, $3  }
0x3a: {  	_ = 	snop  }
0x3b: {  	_ = 	snop  }
0x3c: {  	p2 =	seq.s32 s10, $0x1;
	s10 =	sld [smem:$0x3FB8]  }
0x3d: {  	_ =	shalt  }
0x3e: {  	_ =	shalt  }
0x3f: {  	_ =	shalt  }
0x40: {  	_ =	shalt  }
0x41: {  	_ =	shalt  }
0x42: {  	_ =	shalt  }
0x43: {  	_ =	shalt  }
0x44: {  	_ =	shalt  }
0x45: {  	_ =	shalt  }
0x46: {  	_ =	shalt  }
0x47: {  	_ =	shalt  }
0x48: {  	_ =	shalt  }
0x49: {  	_ =	shalt  }
0x4a: {  	_ =	shalt  }
0x4b: {  	_ =	shalt  }
0x4c: {  	_ =	shalt  }
0x4d: {  	_ =	shalt  }
0x4e: {  	_ =	shalt  }
0x4f: {  	_ =	shalt  }
0x50: {  	_ =	shalt  }
0x51: {  	_ =	shalt  }
0x52: {  	_ =	shalt  }
0x53: {  	_ =	shalt  }
0x54: {  	_ =	shalt  }
0x55: {  	_ =	shalt  }
0x56: {  	_ =	shalt  }
0x57: {  	_ =	shalt  }
0x58: {  	_ =	shalt  }
0x59: {  	_ =	shalt  }
0x5a: {  	_ =	shalt  }
0x5b: {  	_ =	shalt  }
0x5c: {  	_ =	shalt  }
0x5d: {  	_ =	shalt  }
0x5e: {  	_ =	shalt  }
0x5f: {  	_ =	shalt  }
0x60: {  	_ =	shalt  }
0x61: {  	_ =	shalt  }
0x62: {  	_ =	shalt  }
0x63: {  	_ =	shalt  }
0x64: {  	_ =	shalt  }
0x65: {  	_ =	shalt  }
0x66: {  	_ =	shalt  }
0x67: {  	_ =	shalt  }
0x68: {  	_ =	shalt  }
0x69: {  	_ =	shalt  }
0x6a: {  	_ =	shalt  }
0x6b: {  	_ =	shalt  }
0x6c: {  	_ =	shalt  }
0x6d: {  	_ =	shalt  }
0x6e: {  	_ =	shalt  }
0x6f: {  	_ =	shalt  }
0x70: {  	_ =	shalt  }
0x71: {  	_ =	shalt  }
0x72: {  	_ =	shalt  }
0x73: {  	_ =	shalt  }
0x74: {  	_ =	shalt  }
0x75: {  	_ =	shalt  }
0x76: {  	_ =	shalt  }
0x77: {  	_ =	shalt  }
0x78: {  	_ =	shalt  }
0x79: {  	_ =	shalt  }
0x7a: {  	_ =	shalt  }
0x7b: {  	_ =	shalt  }
0x7c: {  	_ =	shalt  }
0x7d: {  	_ =	shalt  }
0x7e: {  	_ =	shalt  }
0x7f: {  	_ =	shalt  }
0x80: {  	_ =	shalt  }
0x81: {  	_ =	shalt  }
0x82: {  	_ =	shalt  }
0x83: {  	_ =	shalt  }
0x84: {  	_ =	shalt  }
0x85: {  	_ =	shalt  }
0x86: {  	_ =	shalt  }
0x87: {  	_ =	shalt  }
.Lfunc_end0:
.L_simem_size_0:
called_computation_lowered:
.L_overlay_start_0:
0x88: {  	s2 =	sld [smem:$0x3FD9]  }
0x89: {  	s3 =	sld [smem:$0x3FFE];
	_ =	sdelay $0x1  }
0x8a: {  	s1 =	srdreg.scid  }
0x8b: {  	s0 =	sand.u32 $0x1, s1  }
0x8c: {  	s17 =	sshll.u32 s0, $0xA;
	s2 =	sadd.s32 s3, s2  }
0x8d: {  	s2 =	sadd.s32 s2, s17  }
0x8e: {  	[smem:$0x3FC4] =	sst s2  }
0x8f: {  	_ = 	snop  }
0x90: {  	s2 =	sld [smem:$0x3FD0];
	(tm) =	ssettm $0x1  }
0x91: {  	s18 =	sld [smem:$0x3FFB];
	_ =	sdelay $0x3  }
0x92: {  	_ =	strace s18  }
0x93: {  	s3 =	sld [smem:$0x3FFC];
	_ =	sdelay $0x3  }
0x94: {  	_ =	strace s3  }
0x95: {  	s3 =	sld [smem:$0x3FFD];
	_ =	sdelay $0x3  }
0x96: {  	_ =	strace s3  }
0x97: {  	_ =	strace $0x8FFFFFFF  }
0x98: {  	s19 =	sld [smem:$0x3FDB];
	_ =	sdelay $0x1  }
0x99: {  	s4 =	simm.s32 $_scs_section_size  }
0x9a: {  	s5 =	simm.s32 $_size__tile_overlayer_lowered;
	s6 =	simm.s32 $_tile_overlayer_lowered  }
0x9b: {  	s22 =	simm.s32 $0x1BFF;
	s21 =	sshll.u32 s6, $0x1;
	s3 =	sadd.s32 s4, s19  }
0x9c: {  	s7 =	simm.s32 $0x0;
	s20 =	sshll.u32 s5, $0x1;
	s5 =	sadd.s32 s21, s3  }
0x9d: {  	[timem:s7], [sflag:s22] =	dma.local [hbm:s5], s20  }
0x9e: {  	_ =	swait.ge [sflag:s22], s20  }
0x9f: {  	s4 =	ssub.s32 $0x0, s20;
	[sflag:s22] =	ssyncset.done $0x0  }
0xa0: {  	[sflag:s22] =	ssyncadd.s32 s4;
	_ =	sdelay $0x1  }
0xa1: {  	s23 =	simm.s32 $0x1B8B  }
0xa2: {  	_ =	swait.ge [sflag:s23], $0x1  }
0xa3: {  	[sflag:s23] =	ssyncset.done $0x0  }
0xa4: {  	s25 =	simm.s32 $0x1B8E;
	s24 =	sld [smem:$0x3FFE];
	[sflag:s23] =	ssyncadd.s32 $0xFFFFFFFF  }
0xa5: {  	s26 =	simm.s32 $execute0_lowered;
	[smem:$0x3FD2] =	sst s25  }
0xa6: {  	s5 =	sshll.u32 s26, $0x1;
	_ =	strace $0x80000046;
	[dreg:$0x1] =	wrdreg $0xFFFFFFFF  }
0xa7: {  	s28 =	simm.s32 $_size_execute0_lowered;
	s3 =	sadd.s32 s3, s5;
	[dreg:$0x0] =	wrdreg $0x0  }
0xa8: {  	s5 =	sshll.u32 s28, $0x1;
	[dreg:$0x2] =	wrdreg s3  }
0xa9: {  	[dreg:$0x3] =	wrdreg s5  }
0xaa: {  	[dreg:$0x4] =	wrdreg $0xC0  }
0xab: {  	_ =	task [dreg:s7], $0x5FFFF  }
0xac: {  	[dreg:$0x1] =	wrdreg $0xFFFFFFFF  }
0xad: {  	[dreg:$0x0] =	wrdreg $0x60  }
0xae: {  	[dreg:$0x2] =	wrdreg s2  }
0xaf: {  	[dreg:$0x3] =	wrdreg s24  }
0xb0: {  	[dreg:$0x4] =	wrdreg $0x6C000  }
0xb1: {  	[dreg:$0x5] =	wrdreg $0x9  }
0xb2: {  	_ =	task.clear_ibuf [dreg:s7], $0x6FFFF;
	_ =	strace $0x90000046  }
0xb3: {  	s29 =	simm.s32 $0x9;
	_ =	strace $0x80000048  }
0xb4: {  	_ =	swait.ge [sflag:s29], $0x1  }
0xb5: {  	[sflag:s29] =	ssyncadd.s32 $0xFFFFFFFF  }
0xb6: {  	_ =	strace $0x90000048  }
0xb7: {  	_ =	sfence  }
0xb8: {  	s30 =	sld [smem:$0x0];
	_ =	sdelay $0x2  }
0xb9: {  	s31 =	sshll.u32 s1, $0xD;
	s1 =	sshrl.u32 s1, $0x2  }
0xba: {  	s3 =	sand.u32 $0x4000, s31;
	s1 =	sadd.s32 s1, s30  }
0xbb: {  	s0 =	sor.u32 s3, s0;
	s1 =	sshll.u32 s1, $0x11  }
0xbc: {  	s0 =	sor.u32 s1, s0  }
0xbd: {  	s0 =	sadd.s32 $0x8F2B, s0  }
0xbe: {  	[sflag:s0] =	ssyncadd.remote.s32 $0x1  }
0xbf: {  	_ =	sfence.sel $0xFFFF  }
0xc0: {  	[dreg:$0x0] =	wrdreg $0xFFFFFFFF;
	(pc) =	sbr.abs _section_cstart, $3  }
0xc1: {  	[dreg:$0x1] =	wrdreg $0xFFFFFFFF  }
0xc2: {  	_ =	task.clear_ibuf [dreg:s7], $0x2FFFF;
	_ =	strace $0x9FFFFFFF  }
0xc3: {  	(tm) =	ssettm $0x7FFFFFFF  }
tec
execute0_lowered:
.L_overlay_start_1:
0x0: {  	(tag) =	ssettag $0x1  }
0x1: {  	s4 =	rddreg [dreg:$0x0]  }
0x2: {  	s5 =	rddreg [dreg:$0x1];
	s0 =	srdreg.scid  }
0x3: {  	s2 =	rddreg [dreg:$0x2];
	s1 =	stileid.u32  }
0x4: {  	s3 =	simm.s32 $0x0;
	s11 =	simm.s32 $0x2800;
	s14 =	simm.s32 $0x0  }
0x5: {  	s6 =	sand.u32 $0x1, s0;
	s0 =	rddreg [dreg:$0x3];
	s8 =	smul.u32 $0x13C00, s1  }
0x6: {  	[smem:$0x7FF] =	sst s3;
	s9 =	smul.u32 $0x4F000, s1;
	s12 =	sshll.u32 s1, $0x6  }
0x7: {  	s7 =	smul.u32 $0x13C000, s6;
	s30 =	sshll.u32 s6, $0x4;
	s6 =	ssub.s32 $0x2, s6  }
0x8: {  	_ =	strace $0x80000047;
	s12 =	sor.u32 $0x1C01, s12;
	s10 =	sshrl.u32 s6, $0x1  }
0x9: {  	s31 =	sshrl.u32 s9, $0x2;
	s7 =	sadd.s32 s8, s7;
	s8 =	sor.u32 s1, s30  }
0xa: {  	s9 =	simm.s32 $0x6800;
	s7 =	sshrl.u32 s7, $0x3;
	s8 =	smul.u32 $0x500, s8  }
0xb: {  	s10 =	ssub.s32 s6, s10;
	s7 =	sadd.s32 s7, s5;
	s5 =	sadd.s32 s31, s2  }
0xc: {  	s4 =	sadd.s32 s4, s8;
	s6 =	sadd.s32 $0x1600, s7;
	s7 =	smax.u32 s10, $0x1  }
0xd: {  	v0 =	vimm.f32 $1.000000000e+00;
	v1 =	vimm.f32 $0.0e+00;
	s8 =	simm.s32 $0x1;
	s10 =	simm.s32 $0x80;
	s13 =	sshrl.u32 s5, $0x3  }
.LBB2_1:
0xe: {  	[tilespmem:s3], [sflag:$0x1] =	stream.linear.gather [hbm4b:s4+s3], $0x2800, $0x38;
	[tilespmem:$0x1A800] =	vst v63  }
0xf: {  	_ =	swait.ge [sflag:s8], $0x2800  }
0x10: {  	[sflag:s8] =	ssyncset.done $0x0  }
0x11: {  	s15 =	simm.s32 $0x0;
	[sflag:s8] =	ssyncadd.s32 $0xFFFFD800  }
0x12: {  	v4 =	vld [tilespmem:s15+$0x0]  }
0x13: {  	v6 =	vld [tilespmem:s15+$0x10]  }
0x14: {  	v5 =	vld [tilespmem:s15+$0x20]  }
0x15: {  	v3 =	vld [tilespmem:s15+$0x30]  }
0x16: {  	v2 =	vld [tilespmem:s15+$0x40]  }
0x17: {  	v7 =	vshrl.u32 v4, $0xE;
	v4 =	vld [tilespmem:s15+$0x50]  }
0x18: {  	s16 =	simm.s32 $0x200;
	[tilespmem:s15+$0x0] =	vst v7;
	v7 =	vshrl.u32 v6, $0xE;
	v6 =	vld [tilespmem:s15+$0x60]  }
.LBB2_2:
0x19: {  	s17 =	sshra.s32 s16, $0x2;
	p0 =	sne.s32 s16, $0x9E00;
	[tilespmem:s15+$0x10] =	vst v7;
	v5 =	vshrl.u32 v5, $0xE;
	v7 =	vld [tilespmem:s15+$0x70]  }
0x1a: {  	v8 =	vld [tilespmem:s17+$0x0];
	[tilespmem:s15+$0x20] =	vst v5;
	v3 =	vshrl.u32 v3, $0xE  }
0x1b: {  	v9 =	vld [tilespmem:s17+$0x10];
	[tilespmem:s15+$0x30] =	vst v3;
	v2 =	vshrl.u32 v2, $0xE  }
.Ltmp0:
0x1c: {  	v5 =	vld [tilespmem:s17+$0x20];
	[tilespmem:s15+$0x40] =	vst v2;
	v2 =	vshrl.u32 v4, $0xE;
	(pc) =	sbr.rel @p0 .LBB2_2-.Ltmp0, $4  }
0x1d: {  	v3 =	vld [tilespmem:s17+$0x30];
	[tilespmem:s15+$0x50] =	vst v2;
	v4 =	vshrl.u32 v6, $0xE  }
0x1e: {  	v2 =	vld [tilespmem:s17+$0x40];
	[tilespmem:s15+$0x60] =	vst v4;
	v6 =	vshrl.u32 v7, $0xE  }
0x1f: {  	v7 =	vshrl.u32 v8, $0xE;
	v4 =	vld [tilespmem:s17+$0x50];
	[tilespmem:s15+$0x70] =	vst v6;
	s15 =	smov.u32 s17  }
0x20: {  	s16 =	sadd.s32 $0x200, s16;
	[tilespmem:s15+$0x0] =	vst v7;
	v7 =	vshrl.u32 v9, $0xE;
	v6 =	vld [tilespmem:s15+$0x60]  }
0x21: {  	[tilespmem:s15+$0x10] =	vst v7;
	v5 =	vshrl.u32 v5, $0xE;
	v63 =	vld [tilespmem:s15+$0x70]  }
0x22: {  	[tilespmem:s15+$0x20] =	vst v5;
	v3 =	vshrl.u32 v3, $0xE  }
0x23: {  	[tilespmem:s15+$0x30] =	vst v3;
	v2 =	vshrl.u32 v2, $0xE  }
0x24: {  	[tilespmem:s15+$0x40] =	vst v2;
	v2 =	vshrl.u32 v4, $0xE  }
0x25: {  	[tilespmem:s15+$0x50] =	vst v2;
	v2 =	vshrl.u32 v6, $0xE  }
0x26: {  	[tilespmem:s15+$0x60] =	vst v2;
	v2 =	vshrl.u32 v63, $0xE  }
0x27: {  	s16 =	simm.s32 $0x200;
	[tilespmem:s15+$0x70] =	vst v2;
	s15 =	simm.s32 $0x0  }
.LBB2_4:
0x28: {  	p0 =	sne.s32 s16, $0xFE00;
	[tilespmem:s15+$0x2870] =	vst v0  }
0x29: {  	[tilespmem:s15+$0x2800] =	vst v0  }
0x2a: {  	[tilespmem:s15+$0x2810] =	vst v0  }
.Ltmp1:
0x2b: {  	[tilespmem:s15+$0x2820] =	vst v0;
	(pc) =	sbr.rel @p0 .LBB2_4-.Ltmp1, $4  }
0x2c: {  	[tilespmem:s15+$0x2830] =	vst v0  }
0x2d: {  	[tilespmem:s15+$0x2840] =	vst v0  }
0x2e: {  	[tilespmem:s15+$0x2850] =	vst v0  }
0x2f: {  	[tilespmem:s15+$0x2860] =	vst v0;
	s15 =	sshra.s32 s16, $0x2;
	s16 =	sadd.s32 $0x200, s16  }
0x30: {  	[tilespmem:s15+$0x2870] =	vst v0  }
0x31: {  	[tilespmem:s15+$0x2800] =	vst v0  }
0x32: {  	[tilespmem:s15+$0x2810] =	vst v0  }
0x33: {  	[tilespmem:s15+$0x2820] =	vst v0  }
0x34: {  	[tilespmem:s15+$0x2830] =	vst v0  }
0x35: {  	[tilespmem:s15+$0x2840] =	vst v0  }
0x36: {  	[tilespmem:s15+$0x2850] =	vst v0  }
0x37: {  	[tilespmem:s15+$0x2860] =	vst v0  }
0x38: {  	[tilespmem:$0x6800] =	vst v1  }
0x39: {  	[tilespmem:$0x6810] =	vst v1  }
0x3a: {  	[tilespmem:$0x6820] =	vst v1  }
0x3b: {  	[tilespmem:$0x6830] =	vst v1  }
0x3c: {  	[tilespmem:$0x6840] =	vst v1  }
0x3d: {  	[tilespmem:$0x6850] =	vst v1  }
0x3e: {  	[tilespmem:$0x6860] =	vst v1  }
0x3f: {  	[tilespmem:$0x6870] =	vst v1  }
0x40: {  	[tilespmem:$0x6880] =	vst v1  }
0x41: {  	[tilespmem:$0x6890] =	vst v1  }
0x42: {  	[tilespmem:$0x68A0] =	vst v1  }
0x43: {  	[tilespmem:$0x68B0] =	vst v1  }
0x44: {  	[tilespmem:$0x68C0] =	vst v1  }
0x45: {  	[tilespmem:$0x68D0] =	vst v1  }
0x46: {  	[tilespmem:$0x68E0] =	vst v1  }
0x47: {  	[tilespmem:$0x68F0] =	vst v1  }
0x48: {  	[tilespmem:$0x6900] =	vst v1  }
0x49: {  	[tilespmem:$0x6910] =	vst v1  }
0x4a: {  	[tilespmem:$0x6920] =	vst v1  }
0x4b: {  	[tilespmem:$0x6930] =	vst v1  }
0x4c: {  	[tilespmem:$0x6940] =	vst v1  }
0x4d: {  	[tilespmem:$0x6950] =	vst v1  }
0x4e: {  	[tilespmem:$0x6960] =	vst v1  }
0x4f: {  	[tilespmem:$0x6970] =	vst v1  }
0x50: {  	[tilespmem:$0x6980] =	vst v1  }
0x51: {  	[tilespmem:$0x6990] =	vst v1  }
0x52: {  	[tilespmem:$0x69A0] =	vst v1  }
0x53: {  	[tilespmem:$0x69B0] =	vst v1  }
0x54: {  	[tilespmem:$0x69C0] =	vst v1  }
0x55: {  	[tilespmem:$0x69D0] =	vst v1  }
0x56: {  	[tilespmem:$0x69E0] =	vst v1  }
0x57: {  	[tilespmem:$0x69F0] =	vst v1  }
0x58: {  	[tilespmem:$0x6A00] =	vst v1  }
0x59: {  	[tilespmem:$0x6A10] =	vst v1  }
0x5a: {  	[tilespmem:$0x6A20] =	vst v1  }
0x5b: {  	[tilespmem:$0x6A30] =	vst v1  }
0x5c: {  	[tilespmem:$0x6A40] =	vst v1  }
0x5d: {  	[tilespmem:$0x6A50] =	vst v1  }
0x5e: {  	[tilespmem:$0x6A60] =	vst v1  }
0x5f: {  	[tilespmem:$0x6A70] =	vst v1  }
0x60: {  	[tilespmem:$0x6A80] =	vst v1  }
0x61: {  	[tilespmem:$0x6A90] =	vst v1  }
0x62: {  	[tilespmem:$0x6AA0] =	vst v1  }
0x63: {  	[tilespmem:$0x6AB0] =	vst v1  }
0x64: {  	[tilespmem:$0x6AC0] =	vst v1  }
0x65: {  	[tilespmem:$0x6AD0] =	vst v1  }
0x66: {  	[tilespmem:$0x6AE0] =	vst v1  }
0x67: {  	[tilespmem:$0x6AF0] =	vst v1  }
0x68: {  	[tilespmem:$0x6B00] =	vst v1  }
0x69: {  	[tilespmem:$0x6B10] =	vst v1  }
0x6a: {  	[tilespmem:$0x6B20] =	vst v1  }
0x6b: {  	[tilespmem:$0x6B30] =	vst v1  }
0x6c: {  	[tilespmem:$0x6B40] =	vst v1  }
0x6d: {  	[tilespmem:$0x6B50] =	vst v1  }
0x6e: {  	[tilespmem:$0x6B60] =	vst v1  }
0x6f: {  	[tilespmem:$0x6B70] =	vst v1  }
0x70: {  	[tilespmem:$0x6B80] =	vst v1  }
0x71: {  	[tilespmem:$0x6B90] =	vst v1  }
0x72: {  	[tilespmem:$0x6BA0] =	vst v1  }
0x73: {  	[tilespmem:$0x6BB0] =	vst v1  }
0x74: {  	[tilespmem:$0x6BC0] =	vst v1  }
0x75: {  	[tilespmem:$0x6BD0] =	vst v1  }
0x76: {  	[tilespmem:$0x6BE0] =	vst v1  }
0x77: {  	s31 =	sadd.s32 $0x0, s5;
	[tilespmem:$0x6BF0] =	vst v1  }
0x78: {  	[spmem:s31] =	stream.linear.scatter [tilespmem:s9], [sflag:$0x1], $0x400, $0x38;
	[tilespmem:$0x1A800] =	vst v63  }
0x79: {  	s15 =	simm.s32 $0x1000;
	_ =	swait.ge [sflag:s8], $0x400  }
.LBB2_6:
0x7a: {  	s16 =	sshra.s32 s15, $0x2;
	[sflag:s8] =	ssyncset.done $0x0;
	p0 =	sne.s32 s15, $0x4E000  }
.Ltmp2:
0x7b: {  	s16 =	sadd.s32 s16, s5;
	[sflag:s8] =	ssyncadd.s32 $0xFFFFFC00;
	(pc) =	sbr.rel @p0 .LBB2_6-.Ltmp2, $3  }
0x7c: {  	[spmem:s16] =	stream.linear.scatter [tilespmem:s9], [sflag:$0x1], $0x400, $0x38;
	[tilespmem:$0x1A800] =	vst v63  }
0x7d: {  	s15 =	sadd.s32 $0x1000, s15;
	_ =	sdelay $0x1  }
0x7e: {  	_ =	swait.ge [sflag:s8], $0x400  }
0x7f: {  	[sflag:s8] =	ssyncset.done $0x0  }
0x80: {  	[sflag:s8] =	ssyncadd.s32 $0xFFFFFC00  }
0x81: {  	s15 =	simm.s32 $0x0;
	[bflag:$0x0] =	sbarrier.arrive $0xFFFF  }
0x82: {  	[spmem:s2] =	stream.indirect.scatter.add.f32 [tilespmem:s11], [sflag:$0x1], $0x80, s15, s10, $0xb8;
	[tilespmem:$0x1A800] =	vst v63  }
0x83: {  	_ =	swait.ge [sflag:s8], $0x4000  }
0x84: {  	s15 =	simm.s32 $0x200;
	[sflag:s8] =	ssyncset.done $0x0  }
.LBB2_8:
0x85: {  	s16 =	sshra.s32 s15, $0x2;
	[sflag:s8] =	ssyncadd.s32 $0xFFFFC000;
	p0 =	sne.s32 s15, $0x9E00  }
0x86: {  	[spmem:s2] =	stream.indirect.scatter.add.f32 [tilespmem:s11], [sflag:$0x1], $0x80, s16, s10, $0xb8;
	[tilespmem:$0x1A800] =	vst v63  }
.Ltmp3:
0x87: {  	_ = 	snop;
	(pc) =	sbr.rel @p0 .LBB2_8-.Ltmp3, $4  }
0x88: {  	_ = 	snop  }
0x89: {  	s15 =	sadd.s32 $0x200, s15  }
0x8a: {  	_ =	swait.ge [sflag:s8], $0x4000  }
0x8b: {  	[sflag:s8] =	ssyncset.done $0x0  }
0x8c: {  	s14 =	sadd.s32 $0x1, s14  }
0x8d: {  	[sflag:s8] =	ssyncadd.s32 $0xFFFFC000;
	p0 =	sne.s32 s14, s7  }
.Ltmp4:
0x8e: {  	[bflag:$0x0] =	sbarrier.arrive $0xFFFF;
	(pc) =	sbr.rel @p0 .LBB2_1-.Ltmp4, $4  }
0x8f: {  	[hbm:s6], [sflag:s12] =	dma.local [spmem:s13], $0x2780  }
0x90: {  	_ =	swait.ge [sflag:s8], $0x2780  }
0x91: {  	[sflag:s8] =	ssyncset.done $0x0  }
0x92: {  	[sflag:s8] =	ssyncadd.s32 $0xFFFFD880  }
0x93: {  	_ =	sfence.sel $0x180000  }
0x94: {  	[bflag:$0x0] =	sbarrier.arrive $0xFFFF  }
0x95: {  	p0 =	sne.s32 s1, $0x0;
	_ =	strace $0x90000047  }
0x96: {  	s0 =	sadd.s32 @!p0 $0x100000, s0;
	[bflag:$0x2] =	sbarrier.arrive $0xFFFF  }
0x97: {  	[sflag:s0] =	ssyncadd.tile.s32 @!p0 $0x1;
	_ =	shalt  }
.Lfunc_end2:
_tile_overlayer_lowered:
.L_overlay_start_2:
0x98: {  	(tag) =	ssettag $0x2  }
0x99: {  	s0 =	rddreg [dreg:$0x0];
	s2 =	stileid.u32  }
0x9a: {  	s1 =	rddreg [dreg:$0x1];
	p0 =	sne.s32 s2, $0x0  }
0x9b: {  	s3 =	rddreg [dreg:$0x2];
	[bflag:$0x3] =	sbarrier.arrive $0xFFFF;
	s2 =	simm.s32 @!p0 $0x1C01  }
0x9c: {  	[timem:s3], [sflag:s2] =	dma.local @!p0 [hbm:s0], s1  }
0x9d: {  	s0 =	simm.s32 @!p0 $0x1  }
0x9e: {  	_ =	swait.ge @!p0 [sflag:s0], s1  }
0x9f: {  	s1 =	ssub.s32 @!p0 $0x0, s1;
	[sflag:s0] =	ssyncset.done @!p0 $0x0  }
0xa0: {  	[sflag:s0] =	ssyncadd.s32 @!p0 s1  }
0xa1: {  	[bflag:$0x3] =	sbarrier.arrive $0xFFFF  }
0xa2: {  	_ =	shalt  }

// kernel: kernel.9.cloned.1.call-start
scs
__scs_entry_jumppad:
0x0: {  	(pc) =	sbr.rel $0x88, $3  }
0x1: {  	(tag) =	ssettag $0x0;
	lr =	simm.s32 $0x1  }
0x2: {  	[smem:$0x3F9D] =	sst lr;
	_ =	strace $0xD0000000  }
0x3: {  	_ = 	snop  }
0x4: {  	_ = 	snop  }
0x5: {  	_ = 	snop  }
0x6: {  	_ = 	snop  }
0x7: {  	_ = 	snop  }
__scs_overlays_trampoline_lowered:
0x8: {  	[smem:$0x3FAC] =	sst s0  }
0x9: {  	[smem:$0x3FAD] =	sst s1  }
0xa: {  	[smem:$0x3FAE] =	sst s2  }
0xb: {  	[smem:$0x3FAF] =	sst s3  }
0xc: {  	[smem:$0x3FB0] =	sst s4  }
0xd: {  	[smem:$0x3FB1] =	sst s5  }
0xe: {  	[smem:$0x3FB2] =	sst s6  }
0xf: {  	[smem:$0x3FB3] =	sst s7  }
0x10: {  	[smem:$0x3FB4] =	sst s8  }
0x11: {  	[smem:$0x3FB5] =	sst s9;
	s0 =	simm.s32 @!p0 $0x0  }
0x12: {  	s1 =	sld [smem:$0x3F9B];
	s0 =	simm.s32 @p0 $0x1  }
0x13: {  	[smem:$0x3FB6] =	sst s0;
	s0 =	simm.s32 @!p1 $0x0  }
0x14: {  	s2 =	sld [smem:$0x3F9A];
	s0 =	simm.s32 @p1 $0x1  }
0x15: {  	[smem:$0x3FB7] =	sst s0;
	s0 =	simm.s32 @!p2 $0x0  }
0x16: {  	s3 =	sld [smem:$0x3FDB];
	s0 =	simm.s32 @p2 $0x1  }
0x17: {  	s4 =	simm.s32 $0x1BF5;
	[smem:$0x3FB9] =	sst s0  }
0x18: {  	s0 =	sld [smem:$0x3F9C];
	_ =	swait.ge [sflag:s4], $0x0  }
0x19: {  	s7 =	sld [smem:$0x3F9D]  }
0x1a: {  	s8 =	sadd.s32 $0xFFFFE003, lr  }
0x1b: {  	s9 =	sadd.s32 $0xFFFFFEF7, lr;
	s5 =	simm.s32 $0xFFFFFFFF;
	p2 =	slt.u32 s8, $0xFFFFF086  }
0x1c: {  	p1 =	slt.u32 s9, $0xF7A;
	s5 =	simm.s32 @!p2 $0x0  }
0x1d: {  	s5 =	simm.s32 @p1 $0x1;
	p0 =	seq.s32 s7, s2  }
0x1e: {  	s7 =	smul.u32 @!p0 $0xF7A, s2;
	p2 =	seq.s32 @!p0 s5, $0x0  }
0x1f: {  	s9 =	smul.u32 $0xF7A, s1;
	s8 =	simm.s32 @!p0 $0x1BF5;
	p2 =	por !p2, p0  }
0x20: {  	[sflag:s8] =	ssyncset.s32 @!p0 $0xFFFFF086;
	s6 =	sadd.s32 @!p0 s3, s7;
	s7 =	simm.s32 @!p0 $0x108  }
0x21: {  	s3 =	sadd.s32 s3, s9;
	s6 =	sadd.s32 @!p0 $0x88, s6;
	s7 =	simm.s32 @p2 $0x1082  }
0x22: {  	[simem:s7], [sflag:s8] =	dma.local @!p0 [hbm:s6], $0xF7A  }
0x23: {  	s9 =	sor.u32 $0xD0000000, s2;
	s6 =	simm.s32 $0x108;
	_ =	swait.ge @!p0 [sflag:s8], $0x0  }
0x24: {  	s3 =	sadd.s32 $0x88, s3;
	s6 =	simm.s32 @!p1 $0x1082;
	[sflag:s4] =	ssyncset.s32 $0xFFFFF086  }
0x25: {  	[simem:s6], [sflag:s4] =	dma.local [hbm:s3], $0xF7A  }
0x26: {  	[smem:$0x3F9D] =	sst s1;
	(tag) =	ssettag s2;
	_ =	strace s9  }
0x27: {  	s1 =	sld [smem:$0x3FAD]  }
0x28: {  	s2 =	sld [smem:$0x3FAE]  }
0x29: {  	s4 =	sld [smem:$0x3FB0]  }
0x2a: {  	p0 =	seq.s32 s5, $0x0;
	s5 =	sld [smem:$0x3FB1]  }
0x2b: {  	s6 =	sld [smem:$0x3FB2]  }
0x2c: {  	s7 =	sld [smem:$0x3FB3]  }
0x2d: {  	s3 =	simm.s32 $0x108;
	s8 =	sld [smem:$0x3FB4]  }
0x2e: {  	s3 =	simm.s32 @!p0 $0x1082;
	s9 =	sld [smem:$0x3FB5]  }
0x2f: {  	lr =	sadd.s32 s0, s3;
	s0 =	sld [smem:$0x3FAC]  }
0x30: {  	s3 =	sld [smem:$0x3FAF]  }
0x31: {  	[smem:$0x3FB8] =	sst s10  }
0x32: {  	s10 =	sld [smem:$0x3FB6];
	_ =	sdelay $0x3  }
0x33: {  	p0 =	seq.s32 s10, $0x1;
	s10 =	sld [smem:$0x3FB8];
	_ =	sdelay $0x3  }
0x34: {  	[smem:$0x3FB8] =	sst s10  }
0x35: {  	s10 =	sld [smem:$0x3FB7];
	_ =	sdelay $0x3  }
0x36: {  	p1 =	seq.s32 s10, $0x1;
	s10 =	sld [smem:$0x3FB8];
	_ =	sdelay $0x3  }
0x37: {  	[smem:$0x3FB8] =	sst s10  }
0x38: {  	s10 =	sld [smem:$0x3FB9]  }
0x39: {  	_ = 	snop;
	(pc) =	sbr.ind lr, $3  }
0x3a: {  	_ = 	snop  }
0x3b: {  	_ = 	snop  }
0x3c: {  	p2 =	seq.s32 s10, $0x1;
	s10 =	sld [smem:$0x3FB8]  }
0x3d: {  	_ =	shalt  }
0x3e: {  	_ =	shalt  }
0x3f: {  	_ =	shalt  }
0x40: {  	_ =	shalt  }
0x41: {  	_ =	shalt  }
0x42: {  	_ =	shalt  }
0x43: {  	_ =	shalt  }
0x44: {  	_ =	shalt  }
0x45: {  	_ =	shalt  }
0x46: {  	_ =	shalt  }
0x47: {  	_ =	shalt  }
0x48: {  	_ =	shalt  }
0x49: {  	_ =	shalt  }
0x4a: {  	_ =	shalt  }
0x4b: {  	_ =	shalt  }
0x4c: {  	_ =	shalt  }
0x4d: {  	_ =	shalt  }
0x4e: {  	_ =	shalt  }
0x4f: {  	_ =	shalt  }
0x50: {  	_ =	shalt  }
0x51: {  	_ =	shalt  }
0x52: {  	_ =	shalt  }
0x53: {  	_ =	shalt  }
0x54: {  	_ =	shalt  }
0x55: {  	_ =	shalt  }
0x56: {  	_ =	shalt  }
0x57: {  	_ =	shalt  }
0x58: {  	_ =	shalt  }
0x59: {  	_ =	shalt  }
0x5a: {  	_ =	shalt  }
0x5b: {  	_ =	shalt  }
0x5c: {  	_ =	shalt  }
0x5d: {  	_ =	shalt  }
0x5e: {  	_ =	shalt  }
0x5f: {  	_ =	shalt  }
0x60: {  	_ =	shalt  }
0x61: {  	_ =	shalt  }
0x62: {  	_ =	shalt  }
0x63: {  	_ =	shalt  }
0x64: {  	_ =	shalt  }
0x65: {  	_ =	shalt  }
0x66: {  	_ =	shalt  }
0x67: {  	_ =	shalt  }
0x68: {  	_ =	shalt  }
0x69: {  	_ =	shalt  }
0x6a: {  	_ =	shalt  }
0x6b: {  	_ =	shalt  }
0x6c: {  	_ =	shalt  }
0x6d: {  	_ =	shalt  }
0x6e: {  	_ =	shalt  }
0x6f: {  	_ =	shalt  }
0x70: {  	_ =	shalt  }
0x71: {  	_ =	shalt  }
0x72: {  	_ =	shalt  }
0x73: {  	_ =	shalt  }
0x74: {  	_ =	shalt  }
0x75: {  	_ =	shalt  }
0x76: {  	_ =	shalt  }
0x77: {  	_ =	shalt  }
0x78: {  	_ =	shalt  }
0x79: {  	_ =	shalt  }
0x7a: {  	_ =	shalt  }
0x7b: {  	_ =	shalt  }
0x7c: {  	_ =	shalt  }
0x7d: {  	_ =	shalt  }
0x7e: {  	_ =	shalt  }
0x7f: {  	_ =	shalt  }
0x80: {  	_ =	shalt  }
0x81: {  	_ =	shalt  }
0x82: {  	_ =	shalt  }
0x83: {  	_ =	shalt  }
0x84: {  	_ =	shalt  }
0x85: {  	_ =	shalt  }
0x86: {  	_ =	shalt  }
0x87: {  	_ =	shalt  }
.Lfunc_end0:
.L_simem_size_0:
called_computation.1_lowered:
.L_overlay_start_0:
0x88: {  	s2 =	sld [smem:$0x3FD9]  }
0x89: {  	s3 =	sld [smem:$0x3FFE];
	_ =	sdelay $0x1  }
0x8a: {  	s1 =	srdreg.scid  }
0x8b: {  	s0 =	sand.u32 $0x1, s1  }
0x8c: {  	s17 =	sshll.u32 s0, $0xA;
	s2 =	sadd.s32 s3, s2  }
0x8d: {  	s2 =	sadd.s32 s2, s17  }
0x8e: {  	[smem:$0x3FC4] =	sst s2  }
0x8f: {  	_ = 	snop  }
0x90: {  	s2 =	sld [smem:$0x3FD0];
	(tm) =	ssettm $0x1  }
0x91: {  	s18 =	sld [smem:$0x3FFB];
	_ =	sdelay $0x3  }
0x92: {  	_ =	strace s18  }
0x93: {  	s3 =	sld [smem:$0x3FFC];
	_ =	sdelay $0x3  }
0x94: {  	_ =	strace s3  }
0x95: {  	s3 =	sld [smem:$0x3FFD];
	_ =	sdelay $0x3  }
0x96: {  	_ =	strace s3  }
0x97: {  	_ =	strace $0x8FFFFFFF  }
0x98: {  	s19 =	sld [smem:$0x3FDB];
	_ =	sdelay $0x1  }
0x99: {  	s4 =	simm.s32 $_scs_section_size  }
0x9a: {  	s5 =	simm.s32 $_size__tile_overlayer_lowered;
	s6 =	simm.s32 $_tile_overlayer_lowered  }
0x9b: {  	s22 =	simm.s32 $0x1BFF;
	s21 =	sshll.u32 s6, $0x1;
	s3 =	sadd.s32 s4, s19  }
0x9c: {  	s7 =	simm.s32 $0x0;
	s20 =	sshll.u32 s5, $0x1;
	s5 =	sadd.s32 s21, s3  }
0x9d: {  	[timem:s7], [sflag:s22] =	dma.local [hbm:s5], s20  }
0x9e: {  	_ =	swait.ge [sflag:s22], s20  }
0x9f: {  	s4 =	ssub.s32 $0x0, s20;
	[sflag:s22] =	ssyncset.done $0x0  }
0xa0: {  	[sflag:s22] =	ssyncadd.s32 s4;
	_ =	sdelay $0x1  }
0xa1: {  	s23 =	simm.s32 $0x1B8B  }
0xa2: {  	_ =	swait.ge [sflag:s23], $0x1  }
0xa3: {  	[sflag:s23] =	ssyncset.done $0x0  }
0xa4: {  	s25 =	simm.s32 $0x1B8E;
	s24 =	sld [smem:$0x3FFE];
	[sflag:s23] =	ssyncadd.s32 $0xFFFFFFFF  }
0xa5: {  	s26 =	simm.s32 $execute0_lowered;
	[smem:$0x3FD2] =	sst s25  }
0xa6: {  	s5 =	sshll.u32 s26, $0x1;
	_ =	strace $0x80000049;
	[dreg:$0x1] =	wrdreg $0xFFFFFFFF  }
0xa7: {  	s28 =	simm.s32 $_size_execute0_lowered;
	s3 =	sadd.s32 s3, s5;
	[dreg:$0x0] =	wrdreg $0x0  }
0xa8: {  	s5 =	sshll.u32 s28, $0x1;
	[dreg:$0x2] =	wrdreg s3  }
0xa9: {  	[dreg:$0x3] =	wrdreg s5  }
0xaa: {  	[dreg:$0x4] =	wrdreg $0xC0  }
0xab: {  	_ =	task [dreg:s7], $0x5FFFF  }
0xac: {  	[dreg:$0x1] =	wrdreg $0xFFFFFFFF  }
0xad: {  	[dreg:$0x0] =	wrdreg $0x60  }
0xae: {  	[dreg:$0x2] =	wrdreg s2  }
0xaf: {  	[dreg:$0x3] =	wrdreg s24  }
0xb0: {  	[dreg:$0x4] =	wrdreg $0x90000  }
0xb1: {  	[dreg:$0x5] =	wrdreg $0x9  }
0xb2: {  	_ =	task.clear_ibuf [dreg:s7], $0x6FFFF;
	_ =	strace $0x90000049  }
0xb3: {  	s29 =	simm.s32 $0x9;
	_ =	strace $0x8000004B  }
0xb4: {  	_ =	swait.ge [sflag:s29], $0x1  }
0xb5: {  	[sflag:s29] =	ssyncadd.s32 $0xFFFFFFFF  }
0xb6: {  	_ =	strace $0x9000004B  }
0xb7: {  	_ =	sfence  }
0xb8: {  	s30 =	sld [smem:$0x0];
	_ =	sdelay $0x2  }
0xb9: {  	s31 =	sshll.u32 s1, $0xD;
	s1 =	sshrl.u32 s1, $0x2  }
0xba: {  	s3 =	sand.u32 $0x4000, s31;
	s1 =	sadd.s32 s1, s30  }
0xbb: {  	s0 =	sor.u32 s3, s0;
	s1 =	sshll.u32 s1, $0x11  }
0xbc: {  	s0 =	sor.u32 s1, s0  }
0xbd: {  	s0 =	sadd.s32 $0x8F2B, s0  }
0xbe: {  	[sflag:s0] =	ssyncadd.remote.s32 $0x1  }
0xbf: {  	_ =	sfence.sel $0xFFFF  }
0xc0: {  	[dreg:$0x0] =	wrdreg $0xFFFFFFFF;
	(pc) =	sbr.abs _section_cstart, $3  }
0xc1: {  	[dreg:$0x1] =	wrdreg $0xFFFFFFFF  }
0xc2: {  	_ =	task.clear_ibuf [dreg:s7], $0x2FFFF;
	_ =	strace $0x9FFFFFFF  }
0xc3: {  	(tm) =	ssettm $0x7FFFFFFF  }
tec
execute0_lowered:
.L_overlay_start_1:
0x0: {  	(tag) =	ssettag $0x1  }
0x1: {  	s1 =	rddreg [dreg:$0x0]  }
0x2: {  	s6 =	rddreg [dreg:$0x1]  }
0x3: {  	s3 =	rddreg [dreg:$0x2]  }
0x4: {  	s0 =	srdreg.scid;
	s2 =	rddreg [dreg:$0x3];
	s4 =	simm.s32 $0x0  }
0x5: {  	s11 =	simm.s32 $0x3;
	s12 =	simm.s32 $0x40;
	s13 =	simm.s32 $0x7000  }
0x6: {  	s14 =	simm.s32 $0x1;
	s15 =	simm.s32 $0x2;
	s7 =	sand.u32 $0x1, s0  }
0x7: {  	s16 =	simm.s32 $0x2780;
	s0 =	stileid.u32;
	s5 =	smul.u32 $0x13C000, s7  }
0x8: {  	s17 =	simm.s32 $0x4F00;
	s18 =	simm.s32 $0x4F80;
	s8 =	smul.u32 $0x13C00, s0  }
0x9: {  	[smem:$0x7FF] =	sst s4;
	s9 =	smul.u32 $0x4F000, s0;
	s31 =	ssub.s32 $0x2, s7  }
0xa: {  	_ =	strace $0x8000004A;
	s7 =	sshll.u32 s7, $0x4;
	s10 =	sshrl.u32 s31, $0x1  }
0xb: {  	s7 =	sor.u32 s0, s7;
	s5 =	sadd.s32 s8, s5;
	s9 =	sshrl.u32 s9, $0x2  }
0xc: {  	s10 =	ssub.s32 s31, s10;
	s7 =	smul.u32 $0x5000, s7;
	s8 =	sshrl.u32 s5, $0x3  }
0xd: {  	s5 =	sadd.s32 $0x50600, s6;
	s8 =	sadd.s32 s8, s6;
	s6 =	sadd.s32 s9, s3  }
0xe: {  	v0 =	vimm.f32 $0.0e+00;
	s9 =	smax.u32 s10, $0x1;
	s10 =	simm.s32 $0x5000;
	s8 =	sadd.s32 $0x1600, s8  }
.LBB2_1:
0xf: {  	[tilespmem:$0x5000] =	vst v0  }
0x10: {  	[tilespmem:$0x5010] =	vst v0  }
0x11: {  	[tilespmem:$0x5020] =	vst v0  }
0x12: {  	[tilespmem:$0x5030] =	vst v0  }
0x13: {  	[tilespmem:$0x5040] =	vst v0  }
0x14: {  	[tilespmem:$0x5050] =	vst v0  }
0x15: {  	[tilespmem:$0x5060] =	vst v0  }
0x16: {  	[tilespmem:$0x5070] =	vst v0  }
0x17: {  	[tilespmem:$0x5080] =	vst v0  }
0x18: {  	[tilespmem:$0x5090] =	vst v0  }
0x19: {  	[tilespmem:$0x50A0] =	vst v0  }
0x1a: {  	[tilespmem:$0x50B0] =	vst v0  }
0x1b: {  	[tilespmem:$0x50C0] =	vst v0  }
0x1c: {  	[tilespmem:$0x50D0] =	vst v0  }
0x1d: {  	[tilespmem:$0x50E0] =	vst v0  }
0x1e: {  	[tilespmem:$0x50F0] =	vst v0  }
0x1f: {  	[tilespmem:$0x5100] =	vst v0  }
0x20: {  	[tilespmem:$0x5110] =	vst v0  }
0x21: {  	[tilespmem:$0x5120] =	vst v0  }
0x22: {  	[tilespmem:$0x5130] =	vst v0  }
0x23: {  	[tilespmem:$0x5140] =	vst v0  }
0x24: {  	[tilespmem:$0x5150] =	vst v0  }
0x25: {  	[tilespmem:$0x5160] =	vst v0  }
0x26: {  	[tilespmem:$0x5170] =	vst v0  }
0x27: {  	[tilespmem:$0x5180] =	vst v0  }
0x28: {  	[tilespmem:$0x5190] =	vst v0  }
0x29: {  	[tilespmem:$0x51A0] =	vst v0  }
0x2a: {  	[tilespmem:$0x51B0] =	vst v0  }
0x2b: {  	[tilespmem:$0x51C0] =	vst v0  }
0x2c: {  	[tilespmem:$0x51D0] =	vst v0  }
0x2d: {  	[tilespmem:$0x51E0] =	vst v0  }
0x2e: {  	[tilespmem:$0x51F0] =	vst v0  }
0x2f: {  	[tilespmem:$0x5200] =	vst v0  }
0x30: {  	[tilespmem:$0x5210] =	vst v0  }
0x31: {  	[tilespmem:$0x5220] =	vst v0  }
0x32: {  	[tilespmem:$0x5230] =	vst v0  }
0x33: {  	[tilespmem:$0x5240] =	vst v0  }
0x34: {  	[tilespmem:$0x5250] =	vst v0  }
0x35: {  	[tilespmem:$0x5260] =	vst v0  }
0x36: {  	[tilespmem:$0x5270] =	vst v0  }
0x37: {  	[tilespmem:$0x5280] =	vst v0  }
0x38: {  	[tilespmem:$0x5290] =	vst v0  }
0x39: {  	[tilespmem:$0x52A0] =	vst v0  }
0x3a: {  	[tilespmem:$0x52B0] =	vst v0  }
0x3b: {  	[tilespmem:$0x52C0] =	vst v0  }
0x3c: {  	[tilespmem:$0x52D0] =	vst v0  }
0x3d: {  	[tilespmem:$0x52E0] =	vst v0  }
0x3e: {  	[tilespmem:$0x52F0] =	vst v0  }
0x3f: {  	[tilespmem:$0x5300] =	vst v0  }
0x40: {  	[tilespmem:$0x5310] =	vst v0  }
0x41: {  	[tilespmem:$0x5320] =	vst v0  }
0x42: {  	[tilespmem:$0x5330] =	vst v0  }
0x43: {  	[tilespmem:$0x5340] =	vst v0  }
0x44: {  	[tilespmem:$0x5350] =	vst v0  }
0x45: {  	[tilespmem:$0x5360] =	vst v0  }
0x46: {  	[tilespmem:$0x5370] =	vst v0  }
0x47: {  	[tilespmem:$0x5380] =	vst v0  }
0x48: {  	[tilespmem:$0x5390] =	vst v0  }
0x49: {  	[tilespmem:$0x53A0] =	vst v0  }
0x4a: {  	[tilespmem:$0x53B0] =	vst v0  }
0x4b: {  	[tilespmem:$0x53C0] =	vst v0  }
0x4c: {  	[tilespmem:$0x53D0] =	vst v0  }
0x4d: {  	[tilespmem:$0x53E0] =	vst v0  }
0x4e: {  	[tilespmem:$0x53F0] =	vst v0;
	s19 =	sadd.s32 $0x0, s6  }
0x4f: {  	[spmem:s19] =	stream.linear.scatter [tilespmem:s10], [sflag:$0x3], $0x400, $0x38;
	[tilespmem:$0x1CC00] =	vst v63  }
0x50: {  	s19 =	simm.s32 $0x1000;
	_ =	swait.ge [sflag:s11], $0x400  }
.LBB2_2:
0x51: {  	s20 =	sshra.s32 s19, $0x2;
	[sflag:s11] =	ssyncset.done $0x0;
	p0 =	sne.s32 s19, $0x4E000  }
.Ltmp0:
0x52: {  	s20 =	sadd.s32 s20, s6;
	[sflag:s11] =	ssyncadd.s32 $0xFFFFFC00;
	(pc) =	sbr.rel @p0 .LBB2_2-.Ltmp0, $3  }
0x53: {  	[spmem:s20] =	stream.linear.scatter [tilespmem:s10], [sflag:$0x3], $0x400, $0x38;
	[tilespmem:$0x1CC00] =	vst v63  }
0x54: {  	s19 =	sadd.s32 $0x1000, s19;
	_ =	sdelay $0x1  }
0x55: {  	_ =	swait.ge [sflag:s11], $0x400  }
0x56: {  	[sflag:s11] =	ssyncset.done $0x0  }
0x57: {  	s19 =	simm.s32 $0x0;
	[sflag:s11] =	ssyncadd.s32 $0xFFFFFC00  }
0x58: {  	p1 =	por $0x1, $0x1;
	s20 =	simm.s32 $0x0;
	[bflag:$0x0] =	sbarrier.arrive $0xFFFF  }
.LBB2_4:
0x59: {  	s20 =	sadd.s32 s7, s20  }
0x5a: {  	s20 =	sshrl.u32 s20, $0x3  }
0x5b: {  	s20 =	sadd.s32 s5, s20  }
0x5c: {  	[tilespmem:s19], [sflag:$0x3] =	stream.linear.gather [hbm4b:s20+s19], $0x2800, $0x38;
	[tilespmem:$0x1CC00] =	vst v63  }
0x5d: {  	_ =	swait.ge [sflag:s11], $0x2800  }
0x5e: {  	[sflag:s11] =	ssyncset.done $0x0  }
0x5f: {  	s21 =	simm.s32 $0x0;
	[sflag:s11] =	ssyncadd.s32 $0xFFFFD800  }
0x60: {  	v1 =	vld [tilespmem:s21+$0x0]  }
0x61: {  	v4 =	vld [tilespmem:s21+$0x10]  }
0x62: {  	v5 =	vld [tilespmem:s21+$0x20]  }
0x63: {  	v6 =	vld [tilespmem:s21+$0x30];
	_ =	sdelay $0x1  }
0x64: {  	v2 =	vand.u32 $0x3FFF, v1  }
0x65: {  	[tilespmem:s21+$0x0] =	vst v2;
	v2 =	vand.u32 $0x3FFF, v4  }
0x66: {  	s20 =	simm.s32 $0x80;
	v3 =	vand.u32 $0x3FFF, v5;
	[tilespmem:s21+$0x10] =	vst v2  }
0x67: {  	v7 =	vand.u32 $0x3FFF, v6;
	v2 =	vld [tilespmem:s20+$0x0];
	[tilespmem:s21+$0x20] =	vst v3  }
0x68: {  	v3 =	vld [tilespmem:s20+$0x10];
	[tilespmem:s21+$0x30] =	vst v7;
	v7 =	vshrl.u32 v1, $0xE  }
0x69: {  	p0 =	por p1, p1;
	s22 =	simm.s32 $0x400;
	v5 =	vshrl.u32 v5, $0xE;
	v6 =	vshrl.u32 v6, $0xE;
	v4 =	vshrl.u32 v4, $0xE;
	v1 =	vld [tilespmem:s20+$0x20];
	[tilespmem:s21+$0x2800] =	vst v7  }
.LBB2_5:
0x6a: {  	p1 =	sne.s32 s22, $0x9E00;
	v7 =	vld [tilespmem:s20+$0x30];
	[tilespmem:s21+$0x2810] =	vst v4  }
0x6b: {  	[tilespmem:s21+$0x2820] =	vst v5  }
0x6c: {  	v8 =	vshrl.u32 v2, $0xE;
	v2 =	vand.u32 $0x3FFF, v2;
	[tilespmem:s21+$0x2830] =	vst v6;
	s21 =	smov.u32 s20  }
.Ltmp1:
0x6d: {  	[tilespmem:s21+$0x0] =	vst v2;
	v4 =	vshrl.u32 v3, $0xE;
	v2 =	vand.u32 $0x3FFF, v3;
	(pc) =	sbr.rel @p1 .LBB2_5-.Ltmp1, $4  }
0x6e: {  	s20 =	sshra.s32 s22, $0x2;
	[tilespmem:s21+$0x10] =	vst v2;
	v5 =	vshrl.u32 v1, $0xE;
	v1 =	vand.u32 $0x3FFF, v1  }
0x6f: {  	v2 =	vld [tilespmem:s20+$0x0];
	[tilespmem:s21+$0x20] =	vst v1;
	v6 =	vshrl.u32 v7, $0xE;
	v1 =	vand.u32 $0x3FFF, v7  }
0x70: {  	v3 =	vld [tilespmem:s20+$0x10];
	[tilespmem:s21+$0x30] =	vst v1  }
0x71: {  	s22 =	sadd.s32 $0x200, s22;
	v1 =	vld [tilespmem:s20+$0x20];
	[tilespmem:s21+$0x2800] =	vst v8  }
0x72: {  	v7 =	vld [tilespmem:s20+$0x30];
	[tilespmem:s21+$0x2810] =	vst v4  }
0x73: {  	[tilespmem:s21+$0x2820] =	vst v5  }
0x74: {  	[tilespmem:s21+$0x2830] =	vst v6;
	v60 =	vand.u32 $0x3FFF, v2  }
0x75: {  	v2 =	vshrl.u32 v2, $0xE;
	[tilespmem:s20+$0x0] =	vst v60  }
0x76: {  	v61 =	vand.u32 $0x3FFF, v3;
	[tilespmem:s20+$0x2800] =	vst v2  }
0x77: {  	v3 =	vshrl.u32 v3, $0xE;
	[tilespmem:s20+$0x10] =	vst v61  }
0x78: {  	v62 =	vand.u32 $0x3FFF, v1;
	[tilespmem:s20+$0x2810] =	vst v3  }
0x79: {  	v1 =	vshrl.u32 v1, $0xE;
	[tilespmem:s20+$0x20] =	vst v62  }
0x7a: {  	v63 =	vand.u32 $0x3FFF, v7;
	[tilespmem:s20+$0x2820] =	vst v1  }
0x7b: {  	v2 =	vshrl.u32 v7, $0xE;
	[tilespmem:s20+$0x30] =	vst v63  }
0x7c: {  	s26 =	simm.s32 $0x0;
	[tilespmem:s20+$0x2830] =	vst v2  }
0x7d: {  	[tilespmem:s10], [sflag:$0x1] =	stream.indirect.gather [hbm4b:s1+s12], $0x80, s26, s12, $0xb8;
	[tilespmem:$0x1CC00] =	vst v63  }
0x7e: {  	s28 =	simm.s32 $0x80  }
0x7f: {  	[tilespmem:s13], [sflag:$0x2] =	stream.indirect.gather [hbm4b:s1+s12], $0x80, s28, s12, $0xb8;
	[tilespmem:$0x1CC00] =	vst v63  }
0x80: {  	_ =	swait.ge [sflag:s14], $0x2000  }
0x81: {  	[sflag:s14] =	ssyncset.done $0x0  }
0x82: {  	s29 =	simm.s32 $0x2800;
	[sflag:s14] =	ssyncadd.s32 $0xFFFFE000  }
0x83: {  	[spmem:s3] =	stream.indirect.scatter.add.f32 [tilespmem:s10], [sflag:$0x3], $0x80, s29, s12, $0xb8;
	[tilespmem:$0x1CC00] =	vst v63  }
0x84: {  	_ =	swait.ge [sflag:s11], $0x2000  }
0x85: {  	[sflag:s11] =	ssyncset.done $0x0  }
0x86: {  	s30 =	simm.s32 $0x100;
	[sflag:s11] =	ssyncadd.s32 $0xFFFFE000  }
0x87: {  	[tilespmem:s10], [sflag:$0x1] =	stream.indirect.gather [hbm4b:s1+s12], $0x80, s30, s12, $0xb8;
	[tilespmem:$0x1CC00] =	vst v63  }
0x88: {  	_ =	swait.ge [sflag:s15], $0x2000  }
0x89: {  	[sflag:s15] =	ssyncset.done $0x0  }
0x8a: {  	s31 =	simm.s32 $0x2880;
	[sflag:s15] =	ssyncadd.s32 $0xFFFFE000  }
0x8b: {  	[spmem:s3] =	stream.indirect.scatter.add.f32 [tilespmem:s13], [sflag:$0x3], $0x80, s31, s12, $0xb8;
	[tilespmem:$0x1CC00] =	vst v63  }
0x8c: {  	_ =	swait.ge [sflag:s11], $0x2000  }
0x8d: {  	s21 =	simm.s32 $0x800;
	s20 =	simm.s32 $0x100;
	[sflag:s11] =	ssyncset.done $0x0  }
.LBB2_7:
0x8e: {  	s22 =	sadd.s32 $0x80, s20  }
0x8f: {  	[sflag:s11] =	ssyncadd.s32 $0xFFFFE000;
	s23 =	smov.u32 s21;
	s24 =	sadd.s32 $0x400, s21  }
0x90: {  	[tilespmem:s13], [sflag:$0x2] =	stream.indirect.gather [hbm4b:s1+s12], $0x80, s22, s12, $0xb8;
	[tilespmem:$0x1CC00] =	vst v63  }
0x91: {  	p1 =	sne.s32 s21, $0x9800;
	_ =	swait.ge [sflag:s14], $0x2000  }
0x92: {  	[sflag:s14] =	ssyncset.done $0x0  }
0x93: {  	s21 =	sadd.s32 $0x2800, s20;
	[sflag:s14] =	ssyncadd.s32 $0xFFFFE000  }
0x94: {  	[spmem:s3] =	stream.indirect.scatter.add.f32 [tilespmem:s10], [sflag:$0x3], $0x80, s21, s12, $0xb8;
	[tilespmem:$0x1CC00] =	vst v63  }
0x95: {  	_ =	swait.ge [sflag:s11], $0x2000  }
0x96: {  	[sflag:s11] =	ssyncset.done $0x0  }
0x97: {  	s21 =	sadd.s32 $0x100, s20;
	[sflag:s11] =	ssyncadd.s32 $0xFFFFE000  }
0x98: {  	[tilespmem:s10], [sflag:$0x1] =	stream.indirect.gather [hbm4b:s1+s12], $0x80, s21, s12, $0xb8;
	[tilespmem:$0x1CC00] =	vst v63  }
0x99: {  	_ =	swait.ge [sflag:s15], $0x2000  }
.Ltmp2:
0x9a: {  	[sflag:s15] =	ssyncset.done $0x0;
	(pc) =	sbr.rel @p1 .LBB2_7-.Ltmp2, $4  }
0x9b: {  	s20 =	sadd.s32 $0x2880, s20;
	[sflag:s15] =	ssyncadd.s32 $0xFFFFE000  }
0x9c: {  	[spmem:s3] =	stream.indirect.scatter.add.f32 [tilespmem:s13], [sflag:$0x3], $0x80, s20, s12, $0xb8;
	[tilespmem:$0x1CC00] =	vst v63  }
0x9d: {  	_ =	swait.ge [sflag:s11], $0x2000  }
0x9e: {  	s21 =	smov.u32 s24;
	s20 =	sshra.s32 s23, $0x2;
	[sflag:s11] =	ssyncset.done $0x0  }
0x9f: {  	s21 =	sadd.s32 $0x80, s20;
	[sflag:s11] =	ssyncadd.s32 $0xFFFFE000  }
0xa0: {  	[tilespmem:s13], [sflag:$0x2] =	stream.indirect.gather [hbm4b:s1+s12], $0x80, s21, s12, $0xb8;
	[tilespmem:$0x1CC00] =	vst v63  }
0xa1: {  	_ =	swait.ge [sflag:s14], $0x2000  }
0xa2: {  	[sflag:s14] =	ssyncset.done $0x0  }
0xa3: {  	s29 =	sadd.s32 $0x2800, s20;
	[sflag:s14] =	ssyncadd.s32 $0xFFFFE000  }
0xa4: {  	[spmem:s3] =	stream.indirect.scatter.add.f32 [tilespmem:s10], [sflag:$0x3], $0x80, s29, s12, $0xb8;
	[tilespmem:$0x1CC00] =	vst v63  }
0xa5: {  	_ =	swait.ge [sflag:s11], $0x2000  }
0xa6: {  	[sflag:s11] =	ssyncset.done $0x0  }
0xa7: {  	s30 =	sadd.s32 $0x100, s20;
	[sflag:s11] =	ssyncadd.s32 $0xFFFFE000  }
0xa8: {  	[tilespmem:s10], [sflag:$0x1] =	stream.indirect.gather [hbm4b:s1+s12], $0x80, s30, s12, $0xb8;
	[tilespmem:$0x1CC00] =	vst v63  }
0xa9: {  	_ =	swait.ge [sflag:s15], $0x2000  }
0xaa: {  	[sflag:s15] =	ssyncset.done $0x0  }
0xab: {  	s31 =	sadd.s32 $0x2880, s20;
	[sflag:s15] =	ssyncadd.s32 $0xFFFFE000  }
0xac: {  	[spmem:s3] =	stream.indirect.scatter.add.f32 [tilespmem:s13], [sflag:$0x3], $0x80, s31, s12, $0xb8;
	[tilespmem:$0x1CC00] =	vst v63  }
0xad: {  	_ =	swait.ge [sflag:s11], $0x2000  }
0xae: {  	[sflag:s11] =	ssyncset.done $0x0  }
0xaf: {  	[sflag:s11] =	ssyncadd.s32 $0xFFFFE000  }
0xb0: {  	[tilespmem:s13], [sflag:$0x2] =	stream.indirect.gather [hbm4b:s1+s12], $0x80, s16, s12, $0xb8;
	[tilespmem:$0x1CC00] =	vst v63  }
0xb1: {  	_ =	swait.ge [sflag:s14], $0x2000  }
0xb2: {  	[sflag:s14] =	ssyncset.done $0x0  }
0xb3: {  	[sflag:s14] =	ssyncadd.s32 $0xFFFFE000  }
0xb4: {  	[spmem:s3] =	stream.indirect.scatter.add.f32 [tilespmem:s10], [sflag:$0x3], $0x80, s17, s12, $0xb8;
	[tilespmem:$0x1CC00] =	vst v63  }
0xb5: {  	_ =	swait.ge [sflag:s11], $0x2000  }
0xb6: {  	[sflag:s11] =	ssyncset.done $0x0  }
0xb7: {  	[sflag:s11] =	ssyncadd.s32 $0xFFFFE000  }
0xb8: {  	_ =	swait.ge [sflag:s15], $0x2000  }
0xb9: {  	[sflag:s15] =	ssyncset.done $0x0  }
.Ltmp3:
0xba: {  	[sflag:s15] =	ssyncadd.s32 $0xFFFFE000;
	(pc) =	sbr.rel @p0 .LBB2_4-.Ltmp3, $4  }
0xbb: {  	[spmem:s3] =	stream.indirect.scatter.add.f32 [tilespmem:s13], [sflag:$0x3], $0x80, s18, s12, $0xb8;
	[tilespmem:$0x1CC00] =	vst v63  }
0xbc: {  	_ =	swait.ge [sflag:s11], $0x2000  }
0xbd: {  	[sflag:s11] =	ssyncset.done $0x0  }
0xbe: {  	s20 =	simm.s32 $0x2800;
	p1 =	por $0x0, $0x0;
	[sflag:s11] =	ssyncadd.s32 $0xFFFFE000  }
0xbf: {  	s4 =	sadd.s32 $0x1, s4  }
0xc0: {  	s19 =	sshll.u32 s0, $0x6;
	[bflag:$0x0] =	sbarrier.arrive $0xFFFF;
	p0 =	sne.s32 s4, s9  }
.Ltmp4:
0xc1: {  	s20 =	sshrl.u32 s6, $0x3;
	s19 =	sor.u32 $0x1C03, s19;
	(pc) =	sbr.rel @p0 .LBB2_1-.Ltmp4, $4  }
0xc2: {  	[hbm:s8], [sflag:s19] =	dma.local [spmem:s20], $0x2780  }
0xc3: {  	_ =	swait.ge [sflag:s11], $0x2780  }
0xc4: {  	[sflag:s11] =	ssyncset.done $0x0  }
0xc5: {  	[sflag:s11] =	ssyncadd.s32 $0xFFFFD880  }
0xc6: {  	_ =	sfence.sel $0x180000  }
0xc7: {  	[bflag:$0x0] =	sbarrier.arrive $0xFFFF  }
0xc8: {  	p0 =	sne.s32 s0, $0x0;
	_ =	strace $0x9000004A  }
0xc9: {  	s0 =	sadd.s32 @!p0 $0x100000, s2;
	[bflag:$0x2] =	sbarrier.arrive $0xFFFF  }
0xca: {  	[sflag:s0] =	ssyncadd.tile.s32 @!p0 $0x1;
	_ =	shalt  }
.Lfunc_end2:
_tile_overlayer_lowered:
.L_overlay_start_2:
0xcb: {  	(tag) =	ssettag $0x2  }
0xcc: {  	s0 =	rddreg [dreg:$0x0];
	s2 =	stileid.u32  }
0xcd: {  	s1 =	rddreg [dreg:$0x1];
	p0 =	sne.s32 s2, $0x0  }
0xce: {  	s3 =	rddreg [dreg:$0x2];
	[bflag:$0x3] =	sbarrier.arrive $0xFFFF;
	s2 =	simm.s32 @!p0 $0x1C03  }
0xcf: {  	[timem:s3], [sflag:s2] =	dma.local @!p0 [hbm:s0], s1  }
0xd0: {  	s0 =	simm.s32 @!p0 $0x3  }
0xd1: {  	_ =	swait.ge @!p0 [sflag:s0], s1  }
0xd2: {  	s1 =	ssub.s32 @!p0 $0x0, s1;
	[sflag:s0] =	ssyncset.done @!p0 $0x0  }
0xd3: {  	[sflag:s0] =	ssyncadd.s32 @!p0 s1  }
0xd4: {  	[bflag:$0x3] =	sbarrier.arrive $0xFFFF  }
0xd5: {  	_ =	shalt  }

</sc_bundles>
